<compile_context>
chip_gen: v7x
topology: tpu7x:2x2x1
jax: 0.10.2.dev20260603
libtpu: 0.0.44.dev20260713+nightly
codegen_flags: <defaults>
</compile_context>

<pallas_src>
import functools

import jax
import jax.numpy as jnp
from jax import lax
from jax.experimental import pallas as pl
from jax.experimental.pallas import tpu as pltpu
from jax.experimental.pallas import tpu_sc as plsc


@functools.lru_cache(maxsize=None)
def _make_lookup(batch, seq, embed, nc, ns, nb):
    nw = nc * ns
    rows_per_w = batch // nw
    n_chunks = rows_per_w // nb
    assert batch % nw == 0 and rows_per_w % nb == 0
    assert n_chunks >= 4 and n_chunks % 2 == 0
    splits = []
    off = 0
    while off < seq:
        width = min(128, seq - off)
        splits.append((off, width))
        off += width
    mesh = plsc.VectorSubcoreMesh(core_axis_name="c", subcore_axis_name="s")

    @functools.partial(
        pl.kernel,
        out_type=jax.ShapeDtypeStruct((batch, seq, embed), jnp.float32),
        mesh=mesh,
        scratch_types=[
            pltpu.VMEM((2, nb, seq), jnp.int32),
            pltpu.VMEM((2, nb, seq, embed), jnp.float32),
            pltpu.SemaphoreType.DMA,
            pltpu.SemaphoreType.DMA,
            pltpu.SemaphoreType.DMA,
            pltpu.SemaphoreType.DMA,
        ],
        compiler_params=pltpu.CompilerParams(use_tc_tiling_on_sc=False),
    )
    def lookup(idx_hbm, table_hbm, out_hbm, idx_v, rows_v, sg0, sg1, sw0, sw1):
        wid = lax.axis_index("s") * nc + lax.axis_index("c")
        b_base = wid * rows_per_w
        sg = (sg0, sg1)
        sw = (sw0, sw1)

        def load_idx(c, p):
            pltpu.sync_copy(idx_hbm.at[pl.ds(b_base + c * nb, nb)], idx_v.at[p])

        def fire_gathers(p):
            for j in range(nb):
                for off, width in splits:
                    pltpu.async_copy(
                        table_hbm.at[idx_v.at[p].at[j, pl.ds(off, width)]],
                        rows_v.at[p].at[j, pl.ds(off, width)],
                        sg[p],
                    )

        def drain_gathers(p):
            pltpu.make_async_copy(
                out_hbm.at[pl.ds(0, nb)], rows_v.at[p], sg[p]
            ).wait()

        def fire_write(c, p):
            return pltpu.async_copy(
                rows_v.at[p], out_hbm.at[pl.ds(b_base + c * nb, nb)], sw[p]
            )

        load_idx(0, 0)
        fire_gathers(0)
        load_idx(1, 1)
        fire_gathers(1)

        def superstep(s, _):
            for p in range(2):
                c = 2 * s + p
                drain_gathers(p)
                w = fire_write(c, p)
                load_idx(c + 2, p)
                w.wait()
                fire_gathers(p)
            return 0

        lax.fori_loop(0, (n_chunks - 2) // 2, superstep, 0)

        for p in range(2):
            c = n_chunks - 2 + p
            drain_gathers(p)
            fire_write(c, p).wait()

    return lookup


def kernel(inputs, embedding_table):
    b, s = inputs.shape
    _, e = embedding_table.shape
    info = plsc.get_sparse_core_info()
    lookup = _make_lookup(b, s, e, info.num_cores, info.num_subcores, 4)
    return lookup(inputs, embedding_table)

# --- scband reference (transcript-rebuilt; emitter-appended) ---
"""Pipeline reference for scband-embedding-lookup-41145786696163 (READ-ONLY COPY).

The authoritative reference and input builder live on the scoring server;
editing this copy changes nothing except your own understanding.
"""

import jax, jax.numpy as jnp
import numpy as np

VOCAB = 1000000
EMBED = 64
BATCH = 4096
SEQ = 200

def setup_inputs(seed: int = 0) -> dict:
    key = jax.random.key(seed)
    k_idx, k_tab = jax.random.split(key)
    inputs = jax.random.randint(k_idx, (BATCH, SEQ), 0, VOCAB, dtype=jnp.int32)
    # embedding table, truncated-normal approximated by normal * stddev
    embedding_table = jax.random.normal(k_tab, (VOCAB, EMBED), dtype=jnp.float32) * 0.02
    return {"inputs": inputs, "embedding_table": embedding_table}

def reference(inputs, embedding_table):
    # inputs: int32 [B, S]; expand to [B, S, 1] as in the original layer
    idx = inputs[..., None]
    out = jnp.take(embedding_table, idx, axis=0)  # [B, S, 1, E]
    b, s, last = idx.shape[0], idx.shape[1], idx.shape[2]
    out = jnp.reshape(out, (b, s, last * EMBED))  # [B, S, E]
    return out

if __name__ == "__main__":
    import jax
    _d = setup_inputs()
    print(jax.jit(kernel)(*tuple(_d.values())))

</pallas_src>

<mosaic_0001>
#map = affine_map<(d0, d1) -> (0, 0)>
#map1 = affine_map<(d0, d1) -> (0, 0, 0)>
module attributes {stable_mosaic.version = 14 : i64} {
  func.func @lookup(%arg0: i32, %arg1: i32, %arg2: memref<4096x200xi32, #tpu.memory_space<hbm>>, %arg3: memref<1000000x64xf32, #tpu.memory_space<hbm>>, %arg4: memref<4096x200x64xf32, #tpu.memory_space<hbm>>, %arg5: memref<2x4x200xi32, #tpu.memory_space<vmem>>, %arg6: memref<2x4x200x64xf32, #tpu.memory_space<vmem>>, %arg7: memref<!tpu.dma_semaphore, #tpu.memory_space<semaphore_mem>>, %arg8: memref<!tpu.dma_semaphore, #tpu.memory_space<semaphore_mem>>, %arg9: memref<!tpu.dma_semaphore, #tpu.memory_space<semaphore_mem>>, %arg10: memref<!tpu.dma_semaphore, #tpu.memory_space<semaphore_mem>>) attributes {dimension_semantics = [#tpu.dimension_semantics<core_parallel>, #tpu.dimension_semantics<subcore_parallel>], iteration_bounds = array<i64: 2, 16>, scalar_prefetch = 0 : i64, scratch_operands = 6 : i64, tpu.core_type = #tpu.core_type<sc_vector_subcore>, window_params = [{transform_indices = #map}, {transform_indices = #map}, {transform_indices = #map1}]} {
    %mul3A = arith.constant 2 : i32
    %mul3A_0 = arith.muli %arg1, %mul3A : i32
    %add3A = arith.addi %mul3A_0, %arg0 : i32
    %mul3A_1 = arith.constant 128 : i32
    %mul3A_2 = arith.muli %add3A, %mul3A_1 : i32
    %add3A_3 = arith.constant 0 : i32
    %add3A_4 = arith.addi %mul3A_2, %add3A_3 : i32
    %run_scoped3A = arith.constant 0 : i32
    "tpu.region"() ({
      %run_scoped3A_490 = tpu.sem_alloc : memref<!tpu.dma_semaphore, #tpu.memory_space<semaphore_mem>>
      %dma_start3A_491 = arith.constant 0 : i32
      %dma_start3A_492 = arith.constant 0 : i32
      %dma_start3A_493 = tpu.memref_slice %arg5[%run_scoped3A, %dma_start3A_491, %dma_start3A_492] : memref<2x4x200xi32, #tpu.memory_space<vmem>> -> memref<1x4x200xi32, #tpu.memory_space<vmem>>
      %dma_start3A_494 = tpu.memref_squeeze %dma_start3A_493 : memref<1x4x200xi32, #tpu.memory_space<vmem>> -> memref<4x200xi32, #tpu.memory_space<vmem>>
      %dma_start3A_495 = arith.constant 0 : i32
      %dma_start3A_496 = tpu.memref_slice %arg2[%add3A_4, %dma_start3A_495] : memref<4096x200xi32, #tpu.memory_space<hbm>> -> memref<4x200xi32, #tpu.memory_space<hbm>>
      %dma_start3A_497 = arith.constant 0 : i32
      %dma_start3A_498 = arith.constant 0 : i32
      %dma_start3A_499 = tpu.memref_slice %arg5[%run_scoped3A, %dma_start3A_497, %dma_start3A_498] : memref<2x4x200xi32, #tpu.memory_space<vmem>> -> memref<1x4x200xi32, #tpu.memory_space<vmem>>
      %dma_start3A_500 = tpu.memref_squeeze %dma_start3A_499 : memref<1x4x200xi32, #tpu.memory_space<vmem>> -> memref<4x200xi32, #tpu.memory_space<vmem>>
      %dma_start3A_501 = arith.constant 0 : i32
      %dma_start3A_502 = tpu.memref_slice %arg2[%add3A_4, %dma_start3A_501] : memref<4096x200xi32, #tpu.memory_space<hbm>> -> memref<4x200xi32, #tpu.memory_space<hbm>>
      tpu.enqueue_dma source(%dma_start3A_502 : memref<4x200xi32, #tpu.memory_space<hbm>>) target(%dma_start3A_500 : memref<4x200xi32, #tpu.memory_space<vmem>>) target_semaphore(%run_scoped3A_490 : memref<!tpu.dma_semaphore, #tpu.memory_space<semaphore_mem>>)
      %dma_wait3A_503 = arith.constant 0 : i32
      %dma_wait3A_504 = arith.constant 0 : i32
      %dma_wait3A_505 = tpu.memref_slice %arg5[%run_scoped3A, %dma_wait3A_503, %dma_wait3A_504] : memref<2x4x200xi32, #tpu.memory_space<vmem>> -> memref<1x4x200xi32, #tpu.memory_space<vmem>>
      %dma_wait3A_506 = tpu.memref_squeeze %dma_wait3A_505 : memref<1x4x200xi32, #tpu.memory_space<vmem>> -> memref<4x200xi32, #tpu.memory_space<vmem>>
      %dma_wait3A_507 = arith.constant 0 : i32
      %dma_wait3A_508 = tpu.memref_slice %arg2[%add3A_4, %dma_wait3A_507] : memref<4096x200xi32, #tpu.memory_space<hbm>> -> memref<4x200xi32, #tpu.memory_space<hbm>>
      %dma_wait3A_509 = arith.constant 0 : i32
      %dma_wait3A_510 = arith.constant 0 : i32
      %dma_wait3A_511 = tpu.memref_slice %arg5[%run_scoped3A, %dma_wait3A_509, %dma_wait3A_510] : memref<2x4x200xi32, #tpu.memory_space<vmem>> -> memref<1x4x200xi32, #tpu.memory_space<vmem>>
      %dma_wait3A_512 = tpu.memref_squeeze %dma_wait3A_511 : memref<1x4x200xi32, #tpu.memory_space<vmem>> -> memref<4x200xi32, #tpu.memory_space<vmem>>
      %dma_wait3A_513 = arith.constant 0 : i32
      %dma_wait3A_514 = tpu.memref_slice %arg2[%add3A_4, %dma_wait3A_513] : memref<4096x200xi32, #tpu.memory_space<hbm>> -> memref<4x200xi32, #tpu.memory_space<hbm>>
      tpu.wait_dma2 semaphore(%run_scoped3A_490 : memref<!tpu.dma_semaphore, #tpu.memory_space<semaphore_mem>>) src(%dma_wait3A_514 : memref<4x200xi32, #tpu.memory_space<hbm>>) dst(%dma_wait3A_512 : memref<4x200xi32, #tpu.memory_space<vmem>>)
      tpu.yield
    }) : () -> ()
    %dma_start3A = arith.constant 0 : i32
    %dma_start3A_5 = arith.constant 0 : i32
    %dma_start3A_6 = arith.constant 0 : i32
    %dma_start3A_7 = arith.constant 0 : i32
    %dma_start3A_8 = arith.constant 0 : i32
    %dma_start3A_9 = arith.constant 0 : i32
    %dma_start3A_10 = arith.constant 0 : i32
    %dma_start3A_11 = tpu.memref_slice %arg6[%dma_start3A_6, %dma_start3A_8, %dma_start3A_9, %dma_start3A_10] : memref<2x4x200x64xf32, #tpu.memory_space<vmem>> -> memref<1x4x200x64xf32, #tpu.memory_space<vmem>>
    %dma_start3A_12 = tpu.memref_squeeze %dma_start3A_11 : memref<1x4x200x64xf32, #tpu.memory_space<vmem>> -> memref<4x200x64xf32, #tpu.memory_space<vmem>>
    %dma_start3A_13 = arith.constant 0 : i32
    %dma_start3A_14 = arith.constant 0 : i32
    %dma_start3A_15 = tpu.memref_slice %dma_start3A_12[%dma_start3A_7, %dma_start3A_13, %dma_start3A_14] : memref<4x200x64xf32, #tpu.memory_space<vmem>> -> memref<1x128x64xf32, #tpu.memory_space<vmem>>
    %dma_start3A_16 = tpu.memref_squeeze %dma_start3A_15 : memref<1x128x64xf32, #tpu.memory_space<vmem>> -> memref<128x64xf32, #tpu.memory_space<vmem>>
    %dma_start3A_17 = arith.constant 0 : i32
    %dma_start3A_18 = arith.constant 0 : i32
    %dma_start3A_19 = tpu.memref_slice %arg5[%dma_start3A, %dma_start3A_17, %dma_start3A_18] : memref<2x4x200xi32, #tpu.memory_space<vmem>> -> memref<1x4x200xi32, #tpu.memory_space<vmem>>
    %dma_start3A_20 = tpu.memref_squeeze %dma_start3A_19 : memref<1x4x200xi32, #tpu.memory_space<vmem>> -> memref<4x200xi32, #tpu.memory_space<vmem>>
    %dma_start3A_21 = arith.constant 0 : i32
    %dma_start3A_22 = tpu.memref_slice %dma_start3A_20[%dma_start3A_5, %dma_start3A_21] : memref<4x200xi32, #tpu.memory_space<vmem>> -> memref<1x128xi32, #tpu.memory_space<vmem>>
    %dma_start3A_23 = tpu.memref_squeeze %dma_start3A_22 : memref<1x128xi32, #tpu.memory_space<vmem>> -> memref<128xi32, #tpu.memory_space<vmem>>
    %dma_start3A_24 = arith.constant 0 : i32
    %dma_start3A_25 = arith.constant 0 : i32
    %dma_start3A_26 = tpu.memref_slice %arg3[%dma_start3A_24, %dma_start3A_25] : memref<1000000x64xf32, #tpu.memory_space<hbm>> -> memref<1000000x64xf32, #tpu.memory_space<hbm>>
    tpu.enqueue_indirect_dma source(%dma_start3A_26 : memref<1000000x64xf32, #tpu.memory_space<hbm>>) target(%dma_start3A_16 : memref<128x64xf32, #tpu.memory_space<vmem>>) offsets(%dma_start3A_23 : memref<128xi32, #tpu.memory_space<vmem>>) semaphore(%arg7 : memref<!tpu.dma_semaphore, #tpu.memory_space<semaphore_mem>>)
    %dma_start3A_27 = arith.constant 0 : i32
    %dma_start3A_28 = arith.constant 0 : i32
    %dma_start3A_29 = arith.constant 0 : i32
    %dma_start3A_30 = arith.constant 0 : i32
    %dma_start3A_31 = arith.constant 0 : i32
    %dma_start3A_32 = arith.constant 0 : i32
    %dma_start3A_33 = arith.constant 0 : i32
    %dma_start3A_34 = tpu.memref_slice %arg6[%dma_start3A_29, %dma_start3A_31, %dma_start3A_32, %dma_start3A_33] : memref<2x4x200x64xf32, #tpu.memory_space<vmem>> -> memref<1x4x200x64xf32, #tpu.memory_space<vmem>>
    %dma_start3A_35 = tpu.memref_squeeze %dma_start3A_34 : memref<1x4x200x64xf32, #tpu.memory_space<vmem>> -> memref<4x200x64xf32, #tpu.memory_space<vmem>>
    %dma_start3A_36 = arith.constant 128 : i32
    %dma_start3A_37 = arith.constant 0 : i32
    %dma_start3A_38 = tpu.memref_slice %dma_start3A_35[%dma_start3A_30, %dma_start3A_36, %dma_start3A_37] : memref<4x200x64xf32, #tpu.memory_space<vmem>> -> memref<1x72x64xf32, #tpu.memory_space<vmem>>
    %dma_start3A_39 = tpu.memref_squeeze %dma_start3A_38 : memref<1x72x64xf32, #tpu.memory_space<vmem>> -> memref<72x64xf32, #tpu.memory_space<vmem>>
    %dma_start3A_40 = arith.constant 0 : i32
    %dma_start3A_41 = arith.constant 0 : i32
    %dma_start3A_42 = tpu.memref_slice %arg5[%dma_start3A_27, %dma_start3A_40, %dma_start3A_41] : memref<2x4x200xi32, #tpu.memory_space<vmem>> -> memref<1x4x200xi32, #tpu.memory_space<vmem>>
    %dma_start3A_43 = tpu.memref_squeeze %dma_start3A_42 : memref<1x4x200xi32, #tpu.memory_space<vmem>> -> memref<4x200xi32, #tpu.memory_space<vmem>>
    %dma_start3A_44 = arith.constant 128 : i32
    %dma_start3A_45 = tpu.memref_slice %dma_start3A_43[%dma_start3A_28, %dma_start3A_44] : memref<4x200xi32, #tpu.memory_space<vmem>> -> memref<1x72xi32, #tpu.memory_space<vmem>>
    %dma_start3A_46 = tpu.memref_squeeze %dma_start3A_45 : memref<1x72xi32, #tpu.memory_space<vmem>> -> memref<72xi32, #tpu.memory_space<vmem>>
    %dma_start3A_47 = arith.constant 0 : i32
    %dma_start3A_48 = arith.constant 0 : i32
    %dma_start3A_49 = tpu.memref_slice %arg3[%dma_start3A_47, %dma_start3A_48] : memref<1000000x64xf32, #tpu.memory_space<hbm>> -> memref<1000000x64xf32, #tpu.memory_space<hbm>>
    tpu.enqueue_indirect_dma source(%dma_start3A_49 : memref<1000000x64xf32, #tpu.memory_space<hbm>>) target(%dma_start3A_39 : memref<72x64xf32, #tpu.memory_space<vmem>>) offsets(%dma_start3A_46 : memref<72xi32, #tpu.memory_space<vmem>>) semaphore(%arg7 : memref<!tpu.dma_semaphore, #tpu.memory_space<semaphore_mem>>)
    %dma_start3A_50 = arith.constant 0 : i32
    %dma_start3A_51 = arith.constant 1 : i32
    %dma_start3A_52 = arith.constant 0 : i32
    %dma_start3A_53 = arith.constant 1 : i32
    %dma_start3A_54 = arith.constant 0 : i32
    %dma_start3A_55 = arith.constant 0 : i32
    %dma_start3A_56 = arith.constant 0 : i32
    %dma_start3A_57 = tpu.memref_slice %arg6[%dma_start3A_52, %dma_start3A_54, %dma_start3A_55, %dma_start3A_56] : memref<2x4x200x64xf32, #tpu.memory_space<vmem>> -> memref<1x4x200x64xf32, #tpu.memory_space<vmem>>
    %dma_start3A_58 = tpu.memref_squeeze %dma_start3A_57 : memref<1x4x200x64xf32, #tpu.memory_space<vmem>> -> memref<4x200x64xf32, #tpu.memory_space<vmem>>
    %dma_start3A_59 = arith.constant 0 : i32
    %dma_start3A_60 = arith.constant 0 : i32
    %dma_start3A_61 = tpu.memref_slice %dma_start3A_58[%dma_start3A_53, %dma_start3A_59, %dma_start3A_60] : memref<4x200x64xf32, #tpu.memory_space<vmem>> -> memref<1x128x64xf32, #tpu.memory_space<vmem>>
    %dma_start3A_62 = tpu.memref_squeeze %dma_start3A_61 : memref<1x128x64xf32, #tpu.memory_space<vmem>> -> memref<128x64xf32, #tpu.memory_space<vmem>>
    %dma_start3A_63 = arith.constant 0 : i32
    %dma_start3A_64 = arith.constant 0 : i32
    %dma_start3A_65 = tpu.memref_slice %arg5[%dma_start3A_50, %dma_start3A_63, %dma_start3A_64] : memref<2x4x200xi32, #tpu.memory_space<vmem>> -> memref<1x4x200xi32, #tpu.memory_space<vmem>>
    %dma_start3A_66 = tpu.memref_squeeze %dma_start3A_65 : memref<1x4x200xi32, #tpu.memory_space<vmem>> -> memref<4x200xi32, #tpu.memory_space<vmem>>
    %dma_start3A_67 = arith.constant 0 : i32
    %dma_start3A_68 = tpu.memref_slice %dma_start3A_66[%dma_start3A_51, %dma_start3A_67] : memref<4x200xi32, #tpu.memory_space<vmem>> -> memref<1x128xi32, #tpu.memory_space<vmem>>
    %dma_start3A_69 = tpu.memref_squeeze %dma_start3A_68 : memref<1x128xi32, #tpu.memory_space<vmem>> -> memref<128xi32, #tpu.memory_space<vmem>>
    %dma_start3A_70 = arith.constant 0 : i32
    %dma_start3A_71 = arith.constant 0 : i32
    %dma_start3A_72 = tpu.memref_slice %arg3[%dma_start3A_70, %dma_start3A_71] : memref<1000000x64xf32, #tpu.memory_space<hbm>> -> memref<1000000x64xf32, #tpu.memory_space<hbm>>
    tpu.enqueue_indirect_dma source(%dma_start3A_72 : memref<1000000x64xf32, #tpu.memory_space<hbm>>) target(%dma_start3A_62 : memref<128x64xf32, #tpu.memory_space<vmem>>) offsets(%dma_start3A_69 : memref<128xi32, #tpu.memory_space<vmem>>) semaphore(%arg7 : memref<!tpu.dma_semaphore, #tpu.memory_space<semaphore_mem>>)
    %dma_start3A_73 = arith.constant 0 : i32
    %dma_start3A_74 = arith.constant 1 : i32
    %dma_start3A_75 = arith.constant 0 : i32
    %dma_start3A_76 = arith.constant 1 : i32
    %dma_start3A_77 = arith.constant 0 : i32
    %dma_start3A_78 = arith.constant 0 : i32
    %dma_start3A_79 = arith.constant 0 : i32
    %dma_start3A_80 = tpu.memref_slice %arg6[%dma_start3A_75, %dma_start3A_77, %dma_start3A_78, %dma_start3A_79] : memref<2x4x200x64xf32, #tpu.memory_space<vmem>> -> memref<1x4x200x64xf32, #tpu.memory_space<vmem>>
    %dma_start3A_81 = tpu.memref_squeeze %dma_start3A_80 : memref<1x4x200x64xf32, #tpu.memory_space<vmem>> -> memref<4x200x64xf32, #tpu.memory_space<vmem>>
    %dma_start3A_82 = arith.constant 128 : i32
    %dma_start3A_83 = arith.constant 0 : i32
    %dma_start3A_84 = tpu.memref_slice %dma_start3A_81[%dma_start3A_76, %dma_start3A_82, %dma_start3A_83] : memref<4x200x64xf32, #tpu.memory_space<vmem>> -> memref<1x72x64xf32, #tpu.memory_space<vmem>>
    %dma_start3A_85 = tpu.memref_squeeze %dma_start3A_84 : memref<1x72x64xf32, #tpu.memory_space<vmem>> -> memref<72x64xf32, #tpu.memory_space<vmem>>
    %dma_start3A_86 = arith.constant 0 : i32
    %dma_start3A_87 = arith.constant 0 : i32
    %dma_start3A_88 = tpu.memref_slice %arg5[%dma_start3A_73, %dma_start3A_86, %dma_start3A_87] : memref<2x4x200xi32, #tpu.memory_space<vmem>> -> memref<1x4x200xi32, #tpu.memory_space<vmem>>
    %dma_start3A_89 = tpu.memref_squeeze %dma_start3A_88 : memref<1x4x200xi32, #tpu.memory_space<vmem>> -> memref<4x200xi32, #tpu.memory_space<vmem>>
    %dma_start3A_90 = arith.constant 128 : i32
    %dma_start3A_91 = tpu.memref_slice %dma_start3A_89[%dma_start3A_74, %dma_start3A_90] : memref<4x200xi32, #tpu.memory_space<vmem>> -> memref<1x72xi32, #tpu.memory_space<vmem>>
    %dma_start3A_92 = tpu.memref_squeeze %dma_start3A_91 : memref<1x72xi32, #tpu.memory_space<vmem>> -> memref<72xi32, #tpu.memory_space<vmem>>
    %dma_start3A_93 = arith.constant 0 : i32
    %dma_start3A_94 = arith.constant 0 : i32
    %dma_start3A_95 = tpu.memref_slice %arg3[%dma_start3A_93, %dma_start3A_94] : memref<1000000x64xf32, #tpu.memory_space<hbm>> -> memref<1000000x64xf32, #tpu.memory_space<hbm>>
    tpu.enqueue_indirect_dma source(%dma_start3A_95 : memref<1000000x64xf32, #tpu.memory_space<hbm>>) target(%dma_start3A_85 : memref<72x64xf32, #tpu.memory_space<vmem>>) offsets(%dma_start3A_92 : memref<72xi32, #tpu.memory_space<vmem>>) semaphore(%arg7 : memref<!tpu.dma_semaphore, #tpu.memory_space<semaphore_mem>>)
    %dma_start3A_96 = arith.constant 0 : i32
    %dma_start3A_97 = arith.constant 2 : i32
    %dma_start3A_98 = arith.constant 0 : i32
    %dma_start3A_99 = arith.constant 2 : i32
    %dma_start3A_100 = arith.constant 0 : i32
    %dma_start3A_101 = arith.constant 0 : i32
    %dma_start3A_102 = arith.constant 0 : i32
    %dma_start3A_103 = tpu.memref_slice %arg6[%dma_start3A_98, %dma_start3A_100, %dma_start3A_101, %dma_start3A_102] : memref<2x4x200x64xf32, #tpu.memory_space<vmem>> -> memref<1x4x200x64xf32, #tpu.memory_space<vmem>>
    %dma_start3A_104 = tpu.memref_squeeze %dma_start3A_103 : memref<1x4x200x64xf32, #tpu.memory_space<vmem>> -> memref<4x200x64xf32, #tpu.memory_space<vmem>>
    %dma_start3A_105 = arith.constant 0 : i32
    %dma_start3A_106 = arith.constant 0 : i32
    %dma_start3A_107 = tpu.memref_slice %dma_start3A_104[%dma_start3A_99, %dma_start3A_105, %dma_start3A_106] : memref<4x200x64xf32, #tpu.memory_space<vmem>> -> memref<1x128x64xf32, #tpu.memory_space<vmem>>
    %dma_start3A_108 = tpu.memref_squeeze %dma_start3A_107 : memref<1x128x64xf32, #tpu.memory_space<vmem>> -> memref<128x64xf32, #tpu.memory_space<vmem>>
    %dma_start3A_109 = arith.constant 0 : i32
    %dma_start3A_110 = arith.constant 0 : i32
    %dma_start3A_111 = tpu.memref_slice %arg5[%dma_start3A_96, %dma_start3A_109, %dma_start3A_110] : memref<2x4x200xi32, #tpu.memory_space<vmem>> -> memref<1x4x200xi32, #tpu.memory_space<vmem>>
    %dma_start3A_112 = tpu.memref_squeeze %dma_start3A_111 : memref<1x4x200xi32, #tpu.memory_space<vmem>> -> memref<4x200xi32, #tpu.memory_space<vmem>>
    %dma_start3A_113 = arith.constant 0 : i32
    %dma_start3A_114 = tpu.memref_slice %dma_start3A_112[%dma_start3A_97, %dma_start3A_113] : memref<4x200xi32, #tpu.memory_space<vmem>> -> memref<1x128xi32, #tpu.memory_space<vmem>>
    %dma_start3A_115 = tpu.memref_squeeze %dma_start3A_114 : memref<1x128xi32, #tpu.memory_space<vmem>> -> memref<128xi32, #tpu.memory_space<vmem>>
    %dma_start3A_116 = arith.constant 0 : i32
    %dma_start3A_117 = arith.constant 0 : i32
    %dma_start3A_118 = tpu.memref_slice %arg3[%dma_start3A_116, %dma_start3A_117] : memref<1000000x64xf32, #tpu.memory_space<hbm>> -> memref<1000000x64xf32, #tpu.memory_space<hbm>>
    tpu.enqueue_indirect_dma source(%dma_start3A_118 : memref<1000000x64xf32, #tpu.memory_space<hbm>>) target(%dma_start3A_108 : memref<128x64xf32, #tpu.memory_space<vmem>>) offsets(%dma_start3A_115 : memref<128xi32, #tpu.memory_space<vmem>>) semaphore(%arg7 : memref<!tpu.dma_semaphore, #tpu.memory_space<semaphore_mem>>)
    %dma_start3A_119 = arith.constant 0 : i32
    %dma_start3A_120 = arith.constant 2 : i32
    %dma_start3A_121 = arith.constant 0 : i32
    %dma_start3A_122 = arith.constant 2 : i32
    %dma_start3A_123 = arith.constant 0 : i32
    %dma_start3A_124 = arith.constant 0 : i32
    %dma_start3A_125 = arith.constant 0 : i32
    %dma_start3A_126 = tpu.memref_slice %arg6[%dma_start3A_121, %dma_start3A_123, %dma_start3A_124, %dma_start3A_125] : memref<2x4x200x64xf32, #tpu.memory_space<vmem>> -> memref<1x4x200x64xf32, #tpu.memory_space<vmem>>
    %dma_start3A_127 = tpu.memref_squeeze %dma_start3A_126 : memref<1x4x200x64xf32, #tpu.memory_space<vmem>> -> memref<4x200x64xf32, #tpu.memory_space<vmem>>
    %dma_start3A_128 = arith.constant 128 : i32
    %dma_start3A_129 = arith.constant 0 : i32
    %dma_start3A_130 = tpu.memref_slice %dma_start3A_127[%dma_start3A_122, %dma_start3A_128, %dma_start3A_129] : memref<4x200x64xf32, #tpu.memory_space<vmem>> -> memref<1x72x64xf32, #tpu.memory_space<vmem>>
    %dma_start3A_131 = tpu.memref_squeeze %dma_start3A_130 : memref<1x72x64xf32, #tpu.memory_space<vmem>> -> memref<72x64xf32, #tpu.memory_space<vmem>>
    %dma_start3A_132 = arith.constant 0 : i32
    %dma_start3A_133 = arith.constant 0 : i32
    %dma_start3A_134 = tpu.memref_slice %arg5[%dma_start3A_119, %dma_start3A_132, %dma_start3A_133] : memref<2x4x200xi32, #tpu.memory_space<vmem>> -> memref<1x4x200xi32, #tpu.memory_space<vmem>>
    %dma_start3A_135 = tpu.memref_squeeze %dma_start3A_134 : memref<1x4x200xi32, #tpu.memory_space<vmem>> -> memref<4x200xi32, #tpu.memory_space<vmem>>
    %dma_start3A_136 = arith.constant 128 : i32
    %dma_start3A_137 = tpu.memref_slice %dma_start3A_135[%dma_start3A_120, %dma_start3A_136] : memref<4x200xi32, #tpu.memory_space<vmem>> -> memref<1x72xi32, #tpu.memory_space<vmem>>
    %dma_start3A_138 = tpu.memref_squeeze %dma_start3A_137 : memref<1x72xi32, #tpu.memory_space<vmem>> -> memref<72xi32, #tpu.memory_space<vmem>>
    %dma_start3A_139 = arith.constant 0 : i32
    %dma_start3A_140 = arith.constant 0 : i32
    %dma_start3A_141 = tpu.memref_slice %arg3[%dma_start3A_139, %dma_start3A_140] : memref<1000000x64xf32, #tpu.memory_space<hbm>> -> memref<1000000x64xf32, #tpu.memory_space<hbm>>
    tpu.enqueue_indirect_dma source(%dma_start3A_141 : memref<1000000x64xf32, #tpu.memory_space<hbm>>) target(%dma_start3A_131 : memref<72x64xf32, #tpu.memory_space<vmem>>) offsets(%dma_start3A_138 : memref<72xi32, #tpu.memory_space<vmem>>) semaphore(%arg7 : memref<!tpu.dma_semaphore, #tpu.memory_space<semaphore_mem>>)
    %dma_start3A_142 = arith.constant 0 : i32
    %dma_start3A_143 = arith.constant 3 : i32
    %dma_start3A_144 = arith.constant 0 : i32
    %dma_start3A_145 = arith.constant 3 : i32
    %dma_start3A_146 = arith.constant 0 : i32
    %dma_start3A_147 = arith.constant 0 : i32
    %dma_start3A_148 = arith.constant 0 : i32
    %dma_start3A_149 = tpu.memref_slice %arg6[%dma_start3A_144, %dma_start3A_146, %dma_start3A_147, %dma_start3A_148] : memref<2x4x200x64xf32, #tpu.memory_space<vmem>> -> memref<1x4x200x64xf32, #tpu.memory_space<vmem>>
    %dma_start3A_150 = tpu.memref_squeeze %dma_start3A_149 : memref<1x4x200x64xf32, #tpu.memory_space<vmem>> -> memref<4x200x64xf32, #tpu.memory_space<vmem>>
    %dma_start3A_151 = arith.constant 0 : i32
    %dma_start3A_152 = arith.constant 0 : i32
    %dma_start3A_153 = tpu.memref_slice %dma_start3A_150[%dma_start3A_145, %dma_start3A_151, %dma_start3A_152] : memref<4x200x64xf32, #tpu.memory_space<vmem>> -> memref<1x128x64xf32, #tpu.memory_space<vmem>>
    %dma_start3A_154 = tpu.memref_squeeze %dma_start3A_153 : memref<1x128x64xf32, #tpu.memory_space<vmem>> -> memref<128x64xf32, #tpu.memory_space<vmem>>
    %dma_start3A_155 = arith.constant 0 : i32
    %dma_start3A_156 = arith.constant 0 : i32
    %dma_start3A_157 = tpu.memref_slice %arg5[%dma_start3A_142, %dma_start3A_155, %dma_start3A_156] : memref<2x4x200xi32, #tpu.memory_space<vmem>> -> memref<1x4x200xi32, #tpu.memory_space<vmem>>
    %dma_start3A_158 = tpu.memref_squeeze %dma_start3A_157 : memref<1x4x200xi32, #tpu.memory_space<vmem>> -> memref<4x200xi32, #tpu.memory_space<vmem>>
    %dma_start3A_159 = arith.constant 0 : i32
    %dma_start3A_160 = tpu.memref_slice %dma_start3A_158[%dma_start3A_143, %dma_start3A_159] : memref<4x200xi32, #tpu.memory_space<vmem>> -> memref<1x128xi32, #tpu.memory_space<vmem>>
    %dma_start3A_161 = tpu.memref_squeeze %dma_start3A_160 : memref<1x128xi32, #tpu.memory_space<vmem>> -> memref<128xi32, #tpu.memory_space<vmem>>
    %dma_start3A_162 = arith.constant 0 : i32
    %dma_start3A_163 = arith.constant 0 : i32
    %dma_start3A_164 = tpu.memref_slice %arg3[%dma_start3A_162, %dma_start3A_163] : memref<1000000x64xf32, #tpu.memory_space<hbm>> -> memref<1000000x64xf32, #tpu.memory_space<hbm>>
    tpu.enqueue_indirect_dma source(%dma_start3A_164 : memref<1000000x64xf32, #tpu.memory_space<hbm>>) target(%dma_start3A_154 : memref<128x64xf32, #tpu.memory_space<vmem>>) offsets(%dma_start3A_161 : memref<128xi32, #tpu.memory_space<vmem>>) semaphore(%arg7 : memref<!tpu.dma_semaphore, #tpu.memory_space<semaphore_mem>>)
    %dma_start3A_165 = arith.constant 0 : i32
    %dma_start3A_166 = arith.constant 3 : i32
    %dma_start3A_167 = arith.constant 0 : i32
    %dma_start3A_168 = arith.constant 3 : i32
    %dma_start3A_169 = arith.constant 0 : i32
    %dma_start3A_170 = arith.constant 0 : i32
    %dma_start3A_171 = arith.constant 0 : i32
    %dma_start3A_172 = tpu.memref_slice %arg6[%dma_start3A_167, %dma_start3A_169, %dma_start3A_170, %dma_start3A_171] : memref<2x4x200x64xf32, #tpu.memory_space<vmem>> -> memref<1x4x200x64xf32, #tpu.memory_space<vmem>>
    %dma_start3A_173 = tpu.memref_squeeze %dma_start3A_172 : memref<1x4x200x64xf32, #tpu.memory_space<vmem>> -> memref<4x200x64xf32, #tpu.memory_space<vmem>>
    %dma_start3A_174 = arith.constant 128 : i32
    %dma_start3A_175 = arith.constant 0 : i32
    %dma_start3A_176 = tpu.memref_slice %dma_start3A_173[%dma_start3A_168, %dma_start3A_174, %dma_start3A_175] : memref<4x200x64xf32, #tpu.memory_space<vmem>> -> memref<1x72x64xf32, #tpu.memory_space<vmem>>
    %dma_start3A_177 = tpu.memref_squeeze %dma_start3A_176 : memref<1x72x64xf32, #tpu.memory_space<vmem>> -> memref<72x64xf32, #tpu.memory_space<vmem>>
    %dma_start3A_178 = arith.constant 0 : i32
    %dma_start3A_179 = arith.constant 0 : i32
    %dma_start3A_180 = tpu.memref_slice %arg5[%dma_start3A_165, %dma_start3A_178, %dma_start3A_179] : memref<2x4x200xi32, #tpu.memory_space<vmem>> -> memref<1x4x200xi32, #tpu.memory_space<vmem>>
    %dma_start3A_181 = tpu.memref_squeeze %dma_start3A_180 : memref<1x4x200xi32, #tpu.memory_space<vmem>> -> memref<4x200xi32, #tpu.memory_space<vmem>>
    %dma_start3A_182 = arith.constant 128 : i32
    %dma_start3A_183 = tpu.memref_slice %dma_start3A_181[%dma_start3A_166, %dma_start3A_182] : memref<4x200xi32, #tpu.memory_space<vmem>> -> memref<1x72xi32, #tpu.memory_space<vmem>>
    %dma_start3A_184 = tpu.memref_squeeze %dma_start3A_183 : memref<1x72xi32, #tpu.memory_space<vmem>> -> memref<72xi32, #tpu.memory_space<vmem>>
    %dma_start3A_185 = arith.constant 0 : i32
    %dma_start3A_186 = arith.constant 0 : i32
    %dma_start3A_187 = tpu.memref_slice %arg3[%dma_start3A_185, %dma_start3A_186] : memref<1000000x64xf32, #tpu.memory_space<hbm>> -> memref<1000000x64xf32, #tpu.memory_space<hbm>>
    tpu.enqueue_indirect_dma source(%dma_start3A_187 : memref<1000000x64xf32, #tpu.memory_space<hbm>>) target(%dma_start3A_177 : memref<72x64xf32, #tpu.memory_space<vmem>>) offsets(%dma_start3A_184 : memref<72xi32, #tpu.memory_space<vmem>>) semaphore(%arg7 : memref<!tpu.dma_semaphore, #tpu.memory_space<semaphore_mem>>)
    %add3A_188 = arith.constant 4 : i32
    %add3A_189 = arith.addi %mul3A_2, %add3A_188 : i32
    %run_scoped3A_190 = arith.constant 1 : i32
    "tpu.region"() ({
      %run_scoped3A_490 = tpu.sem_alloc : memref<!tpu.dma_semaphore, #tpu.memory_space<semaphore_mem>>
      %dma_start3A_491 = arith.constant 0 : i32
      %dma_start3A_492 = arith.constant 0 : i32
      %dma_start3A_493 = tpu.memref_slice %arg5[%run_scoped3A_190, %dma_start3A_491, %dma_start3A_492] : memref<2x4x200xi32, #tpu.memory_space<vmem>> -> memref<1x4x200xi32, #tpu.memory_space<vmem>>
      %dma_start3A_494 = tpu.memref_squeeze %dma_start3A_493 : memref<1x4x200xi32, #tpu.memory_space<vmem>> -> memref<4x200xi32, #tpu.memory_space<vmem>>
      %dma_start3A_495 = arith.constant 0 : i32
      %dma_start3A_496 = tpu.memref_slice %arg2[%add3A_189, %dma_start3A_495] : memref<4096x200xi32, #tpu.memory_space<hbm>> -> memref<4x200xi32, #tpu.memory_space<hbm>>
      %dma_start3A_497 = arith.constant 0 : i32
      %dma_start3A_498 = arith.constant 0 : i32
      %dma_start3A_499 = tpu.memref_slice %arg5[%run_scoped3A_190, %dma_start3A_497, %dma_start3A_498] : memref<2x4x200xi32, #tpu.memory_space<vmem>> -> memref<1x4x200xi32, #tpu.memory_space<vmem>>
      %dma_start3A_500 = tpu.memref_squeeze %dma_start3A_499 : memref<1x4x200xi32, #tpu.memory_space<vmem>> -> memref<4x200xi32, #tpu.memory_space<vmem>>
      %dma_start3A_501 = arith.constant 0 : i32
      %dma_start3A_502 = tpu.memref_slice %arg2[%add3A_189, %dma_start3A_501] : memref<4096x200xi32, #tpu.memory_space<hbm>> -> memref<4x200xi32, #tpu.memory_space<hbm>>
      tpu.enqueue_dma source(%dma_start3A_502 : memref<4x200xi32, #tpu.memory_space<hbm>>) target(%dma_start3A_500 : memref<4x200xi32, #tpu.memory_space<vmem>>) target_semaphore(%run_scoped3A_490 : memref<!tpu.dma_semaphore, #tpu.memory_space<semaphore_mem>>)
      %dma_wait3A_503 = arith.constant 0 : i32
      %dma_wait3A_504 = arith.constant 0 : i32
      %dma_wait3A_505 = tpu.memref_slice %arg5[%run_scoped3A_190, %dma_wait3A_503, %dma_wait3A_504] : memref<2x4x200xi32, #tpu.memory_space<vmem>> -> memref<1x4x200xi32, #tpu.memory_space<vmem>>
      %dma_wait3A_506 = tpu.memref_squeeze %dma_wait3A_505 : memref<1x4x200xi32, #tpu.memory_space<vmem>> -> memref<4x200xi32, #tpu.memory_space<vmem>>
      %dma_wait3A_507 = arith.constant 0 : i32
      %dma_wait3A_508 = tpu.memref_slice %arg2[%add3A_189, %dma_wait3A_507] : memref<4096x200xi32, #tpu.memory_space<hbm>> -> memref<4x200xi32, #tpu.memory_space<hbm>>
      %dma_wait3A_509 = arith.constant 0 : i32
      %dma_wait3A_510 = arith.constant 0 : i32
      %dma_wait3A_511 = tpu.memref_slice %arg5[%run_scoped3A_190, %dma_wait3A_509, %dma_wait3A_510] : memref<2x4x200xi32, #tpu.memory_space<vmem>> -> memref<1x4x200xi32, #tpu.memory_space<vmem>>
      %dma_wait3A_512 = tpu.memref_squeeze %dma_wait3A_511 : memref<1x4x200xi32, #tpu.memory_space<vmem>> -> memref<4x200xi32, #tpu.memory_space<vmem>>
      %dma_wait3A_513 = arith.constant 0 : i32
      %dma_wait3A_514 = tpu.memref_slice %arg2[%add3A_189, %dma_wait3A_513] : memref<4096x200xi32, #tpu.memory_space<hbm>> -> memref<4x200xi32, #tpu.memory_space<hbm>>
      tpu.wait_dma2 semaphore(%run_scoped3A_490 : memref<!tpu.dma_semaphore, #tpu.memory_space<semaphore_mem>>) src(%dma_wait3A_514 : memref<4x200xi32, #tpu.memory_space<hbm>>) dst(%dma_wait3A_512 : memref<4x200xi32, #tpu.memory_space<vmem>>)
      tpu.yield
    }) : () -> ()
    %dma_start3A_191 = arith.constant 1 : i32
    %dma_start3A_192 = arith.constant 0 : i32
    %dma_start3A_193 = arith.constant 1 : i32
    %dma_start3A_194 = arith.constant 0 : i32
    %dma_start3A_195 = arith.constant 0 : i32
    %dma_start3A_196 = arith.constant 0 : i32
    %dma_start3A_197 = arith.constant 0 : i32
    %dma_start3A_198 = tpu.memref_slice %arg6[%dma_start3A_193, %dma_start3A_195, %dma_start3A_196, %dma_start3A_197] : memref<2x4x200x64xf32, #tpu.memory_space<vmem>> -> memref<1x4x200x64xf32, #tpu.memory_space<vmem>>
    %dma_start3A_199 = tpu.memref_squeeze %dma_start3A_198 : memref<1x4x200x64xf32, #tpu.memory_space<vmem>> -> memref<4x200x64xf32, #tpu.memory_space<vmem>>
    %dma_start3A_200 = arith.constant 0 : i32
    %dma_start3A_201 = arith.constant 0 : i32
    %dma_start3A_202 = tpu.memref_slice %dma_start3A_199[%dma_start3A_194, %dma_start3A_200, %dma_start3A_201] : memref<4x200x64xf32, #tpu.memory_space<vmem>> -> memref<1x128x64xf32, #tpu.memory_space<vmem>>
    %dma_start3A_203 = tpu.memref_squeeze %dma_start3A_202 : memref<1x128x64xf32, #tpu.memory_space<vmem>> -> memref<128x64xf32, #tpu.memory_space<vmem>>
    %dma_start3A_204 = arith.constant 0 : i32
    %dma_start3A_205 = arith.constant 0 : i32
    %dma_start3A_206 = tpu.memref_slice %arg5[%dma_start3A_191, %dma_start3A_204, %dma_start3A_205] : memref<2x4x200xi32, #tpu.memory_space<vmem>> -> memref<1x4x200xi32, #tpu.memory_space<vmem>>
    %dma_start3A_207 = tpu.memref_squeeze %dma_start3A_206 : memref<1x4x200xi32, #tpu.memory_space<vmem>> -> memref<4x200xi32, #tpu.memory_space<vmem>>
    %dma_start3A_208 = arith.constant 0 : i32
    %dma_start3A_209 = tpu.memref_slice %dma_start3A_207[%dma_start3A_192, %dma_start3A_208] : memref<4x200xi32, #tpu.memory_space<vmem>> -> memref<1x128xi32, #tpu.memory_space<vmem>>
    %dma_start3A_210 = tpu.memref_squeeze %dma_start3A_209 : memref<1x128xi32, #tpu.memory_space<vmem>> -> memref<128xi32, #tpu.memory_space<vmem>>
    %dma_start3A_211 = arith.constant 0 : i32
    %dma_start3A_212 = arith.constant 0 : i32
    %dma_start3A_213 = tpu.memref_slice %arg3[%dma_start3A_211, %dma_start3A_212] : memref<1000000x64xf32, #tpu.memory_space<hbm>> -> memref<1000000x64xf32, #tpu.memory_space<hbm>>
    tpu.enqueue_indirect_dma source(%dma_start3A_213 : memref<1000000x64xf32, #tpu.memory_space<hbm>>) target(%dma_start3A_203 : memref<128x64xf32, #tpu.memory_space<vmem>>) offsets(%dma_start3A_210 : memref<128xi32, #tpu.memory_space<vmem>>) semaphore(%arg8 : memref<!tpu.dma_semaphore, #tpu.memory_space<semaphore_mem>>)
    %dma_start3A_214 = arith.constant 1 : i32
    %dma_start3A_215 = arith.constant 0 : i32
    %dma_start3A_216 = arith.constant 1 : i32
    %dma_start3A_217 = arith.constant 0 : i32
    %dma_start3A_218 = arith.constant 0 : i32
    %dma_start3A_219 = arith.constant 0 : i32
    %dma_start3A_220 = arith.constant 0 : i32
    %dma_start3A_221 = tpu.memref_slice %arg6[%dma_start3A_216, %dma_start3A_218, %dma_start3A_219, %dma_start3A_220] : memref<2x4x200x64xf32, #tpu.memory_space<vmem>> -> memref<1x4x200x64xf32, #tpu.memory_space<vmem>>
    %dma_start3A_222 = tpu.memref_squeeze %dma_start3A_221 : memref<1x4x200x64xf32, #tpu.memory_space<vmem>> -> memref<4x200x64xf32, #tpu.memory_space<vmem>>
    %dma_start3A_223 = arith.constant 128 : i32
    %dma_start3A_224 = arith.constant 0 : i32
    %dma_start3A_225 = tpu.memref_slice %dma_start3A_222[%dma_start3A_217, %dma_start3A_223, %dma_start3A_224] : memref<4x200x64xf32, #tpu.memory_space<vmem>> -> memref<1x72x64xf32, #tpu.memory_space<vmem>>
    %dma_start3A_226 = tpu.memref_squeeze %dma_start3A_225 : memref<1x72x64xf32, #tpu.memory_space<vmem>> -> memref<72x64xf32, #tpu.memory_space<vmem>>
    %dma_start3A_227 = arith.constant 0 : i32
    %dma_start3A_228 = arith.constant 0 : i32
    %dma_start3A_229 = tpu.memref_slice %arg5[%dma_start3A_214, %dma_start3A_227, %dma_start3A_228] : memref<2x4x200xi32, #tpu.memory_space<vmem>> -> memref<1x4x200xi32, #tpu.memory_space<vmem>>
    %dma_start3A_230 = tpu.memref_squeeze %dma_start3A_229 : memref<1x4x200xi32, #tpu.memory_space<vmem>> -> memref<4x200xi32, #tpu.memory_space<vmem>>
    %dma_start3A_231 = arith.constant 128 : i32
    %dma_start3A_232 = tpu.memref_slice %dma_start3A_230[%dma_start3A_215, %dma_start3A_231] : memref<4x200xi32, #tpu.memory_space<vmem>> -> memref<1x72xi32, #tpu.memory_space<vmem>>
    %dma_start3A_233 = tpu.memref_squeeze %dma_start3A_232 : memref<1x72xi32, #tpu.memory_space<vmem>> -> memref<72xi32, #tpu.memory_space<vmem>>
    %dma_start3A_234 = arith.constant 0 : i32
    %dma_start3A_235 = arith.constant 0 : i32
    %dma_start3A_236 = tpu.memref_slice %arg3[%dma_start3A_234, %dma_start3A_235] : memref<1000000x64xf32, #tpu.memory_space<hbm>> -> memref<1000000x64xf32, #tpu.memory_space<hbm>>
    tpu.enqueue_indirect_dma source(%dma_start3A_236 : memref<1000000x64xf32, #tpu.memory_space<hbm>>) target(%dma_start3A_226 : memref<72x64xf32, #tpu.memory_space<vmem>>) offsets(%dma_start3A_233 : memref<72xi32, #tpu.memory_space<vmem>>) semaphore(%arg8 : memref<!tpu.dma_semaphore, #tpu.memory_space<semaphore_mem>>)
    %dma_start3A_237 = arith.constant 1 : i32
    %dma_start3A_238 = arith.constant 1 : i32
    %dma_start3A_239 = arith.constant 1 : i32
    %dma_start3A_240 = arith.constant 1 : i32
    %dma_start3A_241 = arith.constant 0 : i32
    %dma_start3A_242 = arith.constant 0 : i32
    %dma_start3A_243 = arith.constant 0 : i32
    %dma_start3A_244 = tpu.memref_slice %arg6[%dma_start3A_239, %dma_start3A_241, %dma_start3A_242, %dma_start3A_243] : memref<2x4x200x64xf32, #tpu.memory_space<vmem>> -> memref<1x4x200x64xf32, #tpu.memory_space<vmem>>
    %dma_start3A_245 = tpu.memref_squeeze %dma_start3A_244 : memref<1x4x200x64xf32, #tpu.memory_space<vmem>> -> memref<4x200x64xf32, #tpu.memory_space<vmem>>
    %dma_start3A_246 = arith.constant 0 : i32
    %dma_start3A_247 = arith.constant 0 : i32
    %dma_start3A_248 = tpu.memref_slice %dma_start3A_245[%dma_start3A_240, %dma_start3A_246, %dma_start3A_247] : memref<4x200x64xf32, #tpu.memory_space<vmem>> -> memref<1x128x64xf32, #tpu.memory_space<vmem>>
    %dma_start3A_249 = tpu.memref_squeeze %dma_start3A_248 : memref<1x128x64xf32, #tpu.memory_space<vmem>> -> memref<128x64xf32, #tpu.memory_space<vmem>>
    %dma_start3A_250 = arith.constant 0 : i32
    %dma_start3A_251 = arith.constant 0 : i32
    %dma_start3A_252 = tpu.memref_slice %arg5[%dma_start3A_237, %dma_start3A_250, %dma_start3A_251] : memref<2x4x200xi32, #tpu.memory_space<vmem>> -> memref<1x4x200xi32, #tpu.memory_space<vmem>>
    %dma_start3A_253 = tpu.memref_squeeze %dma_start3A_252 : memref<1x4x200xi32, #tpu.memory_space<vmem>> -> memref<4x200xi32, #tpu.memory_space<vmem>>
    %dma_start3A_254 = arith.constant 0 : i32
    %dma_start3A_255 = tpu.memref_slice %dma_start3A_253[%dma_start3A_238, %dma_start3A_254] : memref<4x200xi32, #tpu.memory_space<vmem>> -> memref<1x128xi32, #tpu.memory_space<vmem>>
    %dma_start3A_256 = tpu.memref_squeeze %dma_start3A_255 : memref<1x128xi32, #tpu.memory_space<vmem>> -> memref<128xi32, #tpu.memory_space<vmem>>
    %dma_start3A_257 = arith.constant 0 : i32
    %dma_start3A_258 = arith.constant 0 : i32
    %dma_start3A_259 = tpu.memref_slice %arg3[%dma_start3A_257, %dma_start3A_258] : memref<1000000x64xf32, #tpu.memory_space<hbm>> -> memref<1000000x64xf32, #tpu.memory_space<hbm>>
    tpu.enqueue_indirect_dma source(%dma_start3A_259 : memref<1000000x64xf32, #tpu.memory_space<hbm>>) target(%dma_start3A_249 : memref<128x64xf32, #tpu.memory_space<vmem>>) offsets(%dma_start3A_256 : memref<128xi32, #tpu.memory_space<vmem>>) semaphore(%arg8 : memref<!tpu.dma_semaphore, #tpu.memory_space<semaphore_mem>>)
    %dma_start3A_260 = arith.constant 1 : i32
    %dma_start3A_261 = arith.constant 1 : i32
    %dma_start3A_262 = arith.constant 1 : i32
    %dma_start3A_263 = arith.constant 1 : i32
    %dma_start3A_264 = arith.constant 0 : i32
    %dma_start3A_265 = arith.constant 0 : i32
    %dma_start3A_266 = arith.constant 0 : i32
    %dma_start3A_267 = tpu.memref_slice %arg6[%dma_start3A_262, %dma_start3A_264, %dma_start3A_265, %dma_start3A_266] : memref<2x4x200x64xf32, #tpu.memory_space<vmem>> -> memref<1x4x200x64xf32, #tpu.memory_space<vmem>>
    %dma_start3A_268 = tpu.memref_squeeze %dma_start3A_267 : memref<1x4x200x64xf32, #tpu.memory_space<vmem>> -> memref<4x200x64xf32, #tpu.memory_space<vmem>>
    %dma_start3A_269 = arith.constant 128 : i32
    %dma_start3A_270 = arith.constant 0 : i32
    %dma_start3A_271 = tpu.memref_slice %dma_start3A_268[%dma_start3A_263, %dma_start3A_269, %dma_start3A_270] : memref<4x200x64xf32, #tpu.memory_space<vmem>> -> memref<1x72x64xf32, #tpu.memory_space<vmem>>
    %dma_start3A_272 = tpu.memref_squeeze %dma_start3A_271 : memref<1x72x64xf32, #tpu.memory_space<vmem>> -> memref<72x64xf32, #tpu.memory_space<vmem>>
    %dma_start3A_273 = arith.constant 0 : i32
    %dma_start3A_274 = arith.constant 0 : i32
    %dma_start3A_275 = tpu.memref_slice %arg5[%dma_start3A_260, %dma_start3A_273, %dma_start3A_274] : memref<2x4x200xi32, #tpu.memory_space<vmem>> -> memref<1x4x200xi32, #tpu.memory_space<vmem>>
    %dma_start3A_276 = tpu.memref_squeeze %dma_start3A_275 : memref<1x4x200xi32, #tpu.memory_space<vmem>> -> memref<4x200xi32, #tpu.memory_space<vmem>>
    %dma_start3A_277 = arith.constant 128 : i32
    %dma_start3A_278 = tpu.memref_slice %dma_start3A_276[%dma_start3A_261, %dma_start3A_277] : memref<4x200xi32, #tpu.memory_space<vmem>> -> memref<1x72xi32, #tpu.memory_space<vmem>>
    %dma_start3A_279 = tpu.memref_squeeze %dma_start3A_278 : memref<1x72xi32, #tpu.memory_space<vmem>> -> memref<72xi32, #tpu.memory_space<vmem>>
    %dma_start3A_280 = arith.constant 0 : i32
    %dma_start3A_281 = arith.constant 0 : i32
    %dma_start3A_282 = tpu.memref_slice %arg3[%dma_start3A_280, %dma_start3A_281] : memref<1000000x64xf32, #tpu.memory_space<hbm>> -> memref<1000000x64xf32, #tpu.memory_space<hbm>>
    tpu.enqueue_indirect_dma source(%dma_start3A_282 : memref<1000000x64xf32, #tpu.memory_space<hbm>>) target(%dma_start3A_272 : memref<72x64xf32, #tpu.memory_space<vmem>>) offsets(%dma_start3A_279 : memref<72xi32, #tpu.memory_space<vmem>>) semaphore(%arg8 : memref<!tpu.dma_semaphore, #tpu.memory_space<semaphore_mem>>)
    %dma_start3A_283 = arith.constant 1 : i32
    %dma_start3A_284 = arith.constant 2 : i32
    %dma_start3A_285 = arith.constant 1 : i32
    %dma_start3A_286 = arith.constant 2 : i32
    %dma_start3A_287 = arith.constant 0 : i32
    %dma_start3A_288 = arith.constant 0 : i32
    %dma_start3A_289 = arith.constant 0 : i32
    %dma_start3A_290 = tpu.memref_slice %arg6[%dma_start3A_285, %dma_start3A_287, %dma_start3A_288, %dma_start3A_289] : memref<2x4x200x64xf32, #tpu.memory_space<vmem>> -> memref<1x4x200x64xf32, #tpu.memory_space<vmem>>
    %dma_start3A_291 = tpu.memref_squeeze %dma_start3A_290 : memref<1x4x200x64xf32, #tpu.memory_space<vmem>> -> memref<4x200x64xf32, #tpu.memory_space<vmem>>
    %dma_start3A_292 = arith.constant 0 : i32
    %dma_start3A_293 = arith.constant 0 : i32
    %dma_start3A_294 = tpu.memref_slice %dma_start3A_291[%dma_start3A_286, %dma_start3A_292, %dma_start3A_293] : memref<4x200x64xf32, #tpu.memory_space<vmem>> -> memref<1x128x64xf32, #tpu.memory_space<vmem>>
    %dma_start3A_295 = tpu.memref_squeeze %dma_start3A_294 : memref<1x128x64xf32, #tpu.memory_space<vmem>> -> memref<128x64xf32, #tpu.memory_space<vmem>>
    %dma_start3A_296 = arith.constant 0 : i32
    %dma_start3A_297 = arith.constant 0 : i32
    %dma_start3A_298 = tpu.memref_slice %arg5[%dma_start3A_283, %dma_start3A_296, %dma_start3A_297] : memref<2x4x200xi32, #tpu.memory_space<vmem>> -> memref<1x4x200xi32, #tpu.memory_space<vmem>>
    %dma_start3A_299 = tpu.memref_squeeze %dma_start3A_298 : memref<1x4x200xi32, #tpu.memory_space<vmem>> -> memref<4x200xi32, #tpu.memory_space<vmem>>
    %dma_start3A_300 = arith.constant 0 : i32
    %dma_start3A_301 = tpu.memref_slice %dma_start3A_299[%dma_start3A_284, %dma_start3A_300] : memref<4x200xi32, #tpu.memory_space<vmem>> -> memref<1x128xi32, #tpu.memory_space<vmem>>
    %dma_start3A_302 = tpu.memref_squeeze %dma_start3A_301 : memref<1x128xi32, #tpu.memory_space<vmem>> -> memref<128xi32, #tpu.memory_space<vmem>>
    %dma_start3A_303 = arith.constant 0 : i32
    %dma_start3A_304 = arith.constant 0 : i32
    %dma_start3A_305 = tpu.memref_slice %arg3[%dma_start3A_303, %dma_start3A_304] : memref<1000000x64xf32, #tpu.memory_space<hbm>> -> memref<1000000x64xf32, #tpu.memory_space<hbm>>
    tpu.enqueue_indirect_dma source(%dma_start3A_305 : memref<1000000x64xf32, #tpu.memory_space<hbm>>) target(%dma_start3A_295 : memref<128x64xf32, #tpu.memory_space<vmem>>) offsets(%dma_start3A_302 : memref<128xi32, #tpu.memory_space<vmem>>) semaphore(%arg8 : memref<!tpu.dma_semaphore, #tpu.memory_space<semaphore_mem>>)
    %dma_start3A_306 = arith.constant 1 : i32
    %dma_start3A_307 = arith.constant 2 : i32
    %dma_start3A_308 = arith.constant 1 : i32
    %dma_start3A_309 = arith.constant 2 : i32
    %dma_start3A_310 = arith.constant 0 : i32
    %dma_start3A_311 = arith.constant 0 : i32
    %dma_start3A_312 = arith.constant 0 : i32
    %dma_start3A_313 = tpu.memref_slice %arg6[%dma_start3A_308, %dma_start3A_310, %dma_start3A_311, %dma_start3A_312] : memref<2x4x200x64xf32, #tpu.memory_space<vmem>> -> memref<1x4x200x64xf32, #tpu.memory_space<vmem>>
    %dma_start3A_314 = tpu.memref_squeeze %dma_start3A_313 : memref<1x4x200x64xf32, #tpu.memory_space<vmem>> -> memref<4x200x64xf32, #tpu.memory_space<vmem>>
    %dma_start3A_315 = arith.constant 128 : i32
    %dma_start3A_316 = arith.constant 0 : i32
    %dma_start3A_317 = tpu.memref_slice %dma_start3A_314[%dma_start3A_309, %dma_start3A_315, %dma_start3A_316] : memref<4x200x64xf32, #tpu.memory_space<vmem>> -> memref<1x72x64xf32, #tpu.memory_space<vmem>>
    %dma_start3A_318 = tpu.memref_squeeze %dma_start3A_317 : memref<1x72x64xf32, #tpu.memory_space<vmem>> -> memref<72x64xf32, #tpu.memory_space<vmem>>
    %dma_start3A_319 = arith.constant 0 : i32
    %dma_start3A_320 = arith.constant 0 : i32
    %dma_start3A_321 = tpu.memref_slice %arg5[%dma_start3A_306, %dma_start3A_319, %dma_start3A_320] : memref<2x4x200xi32, #tpu.memory_space<vmem>> -> memref<1x4x200xi32, #tpu.memory_space<vmem>>
    %dma_start3A_322 = tpu.memref_squeeze %dma_start3A_321 : memref<1x4x200xi32, #tpu.memory_space<vmem>> -> memref<4x200xi32, #tpu.memory_space<vmem>>
    %dma_start3A_323 = arith.constant 128 : i32
    %dma_start3A_324 = tpu.memref_slice %dma_start3A_322[%dma_start3A_307, %dma_start3A_323] : memref<4x200xi32, #tpu.memory_space<vmem>> -> memref<1x72xi32, #tpu.memory_space<vmem>>
    %dma_start3A_325 = tpu.memref_squeeze %dma_start3A_324 : memref<1x72xi32, #tpu.memory_space<vmem>> -> memref<72xi32, #tpu.memory_space<vmem>>
    %dma_start3A_326 = arith.constant 0 : i32
    %dma_start3A_327 = arith.constant 0 : i32
    %dma_start3A_328 = tpu.memref_slice %arg3[%dma_start3A_326, %dma_start3A_327] : memref<1000000x64xf32, #tpu.memory_space<hbm>> -> memref<1000000x64xf32, #tpu.memory_space<hbm>>
    tpu.enqueue_indirect_dma source(%dma_start3A_328 : memref<1000000x64xf32, #tpu.memory_space<hbm>>) target(%dma_start3A_318 : memref<72x64xf32, #tpu.memory_space<vmem>>) offsets(%dma_start3A_325 : memref<72xi32, #tpu.memory_space<vmem>>) semaphore(%arg8 : memref<!tpu.dma_semaphore, #tpu.memory_space<semaphore_mem>>)
    %dma_start3A_329 = arith.constant 1 : i32
    %dma_start3A_330 = arith.constant 3 : i32
    %dma_start3A_331 = arith.constant 1 : i32
    %dma_start3A_332 = arith.constant 3 : i32
    %dma_start3A_333 = arith.constant 0 : i32
    %dma_start3A_334 = arith.constant 0 : i32
    %dma_start3A_335 = arith.constant 0 : i32
    %dma_start3A_336 = tpu.memref_slice %arg6[%dma_start3A_331, %dma_start3A_333, %dma_start3A_334, %dma_start3A_335] : memref<2x4x200x64xf32, #tpu.memory_space<vmem>> -> memref<1x4x200x64xf32, #tpu.memory_space<vmem>>
    %dma_start3A_337 = tpu.memref_squeeze %dma_start3A_336 : memref<1x4x200x64xf32, #tpu.memory_space<vmem>> -> memref<4x200x64xf32, #tpu.memory_space<vmem>>
    %dma_start3A_338 = arith.constant 0 : i32
    %dma_start3A_339 = arith.constant 0 : i32
    %dma_start3A_340 = tpu.memref_slice %dma_start3A_337[%dma_start3A_332, %dma_start3A_338, %dma_start3A_339] : memref<4x200x64xf32, #tpu.memory_space<vmem>> -> memref<1x128x64xf32, #tpu.memory_space<vmem>>
    %dma_start3A_341 = tpu.memref_squeeze %dma_start3A_340 : memref<1x128x64xf32, #tpu.memory_space<vmem>> -> memref<128x64xf32, #tpu.memory_space<vmem>>
    %dma_start3A_342 = arith.constant 0 : i32
    %dma_start3A_343 = arith.constant 0 : i32
    %dma_start3A_344 = tpu.memref_slice %arg5[%dma_start3A_329, %dma_start3A_342, %dma_start3A_343] : memref<2x4x200xi32, #tpu.memory_space<vmem>> -> memref<1x4x200xi32, #tpu.memory_space<vmem>>
    %dma_start3A_345 = tpu.memref_squeeze %dma_start3A_344 : memref<1x4x200xi32, #tpu.memory_space<vmem>> -> memref<4x200xi32, #tpu.memory_space<vmem>>
    %dma_start3A_346 = arith.constant 0 : i32
    %dma_start3A_347 = tpu.memref_slice %dma_start3A_345[%dma_start3A_330, %dma_start3A_346] : memref<4x200xi32, #tpu.memory_space<vmem>> -> memref<1x128xi32, #tpu.memory_space<vmem>>
    %dma_start3A_348 = tpu.memref_squeeze %dma_start3A_347 : memref<1x128xi32, #tpu.memory_space<vmem>> -> memref<128xi32, #tpu.memory_space<vmem>>
    %dma_start3A_349 = arith.constant 0 : i32
    %dma_start3A_350 = arith.constant 0 : i32
    %dma_start3A_351 = tpu.memref_slice %arg3[%dma_start3A_349, %dma_start3A_350] : memref<1000000x64xf32, #tpu.memory_space<hbm>> -> memref<1000000x64xf32, #tpu.memory_space<hbm>>
    tpu.enqueue_indirect_dma source(%dma_start3A_351 : memref<1000000x64xf32, #tpu.memory_space<hbm>>) target(%dma_start3A_341 : memref<128x64xf32, #tpu.memory_space<vmem>>) offsets(%dma_start3A_348 : memref<128xi32, #tpu.memory_space<vmem>>) semaphore(%arg8 : memref<!tpu.dma_semaphore, #tpu.memory_space<semaphore_mem>>)
    %dma_start3A_352 = arith.constant 1 : i32
    %dma_start3A_353 = arith.constant 3 : i32
    %dma_start3A_354 = arith.constant 1 : i32
    %dma_start3A_355 = arith.constant 3 : i32
    %dma_start3A_356 = arith.constant 0 : i32
    %dma_start3A_357 = arith.constant 0 : i32
    %dma_start3A_358 = arith.constant 0 : i32
    %dma_start3A_359 = tpu.memref_slice %arg6[%dma_start3A_354, %dma_start3A_356, %dma_start3A_357, %dma_start3A_358] : memref<2x4x200x64xf32, #tpu.memory_space<vmem>> -> memref<1x4x200x64xf32, #tpu.memory_space<vmem>>
    %dma_start3A_360 = tpu.memref_squeeze %dma_start3A_359 : memref<1x4x200x64xf32, #tpu.memory_space<vmem>> -> memref<4x200x64xf32, #tpu.memory_space<vmem>>
    %dma_start3A_361 = arith.constant 128 : i32
    %dma_start3A_362 = arith.constant 0 : i32
    %dma_start3A_363 = tpu.memref_slice %dma_start3A_360[%dma_start3A_355, %dma_start3A_361, %dma_start3A_362] : memref<4x200x64xf32, #tpu.memory_space<vmem>> -> memref<1x72x64xf32, #tpu.memory_space<vmem>>
    %dma_start3A_364 = tpu.memref_squeeze %dma_start3A_363 : memref<1x72x64xf32, #tpu.memory_space<vmem>> -> memref<72x64xf32, #tpu.memory_space<vmem>>
    %dma_start3A_365 = arith.constant 0 : i32
    %dma_start3A_366 = arith.constant 0 : i32
    %dma_start3A_367 = tpu.memref_slice %arg5[%dma_start3A_352, %dma_start3A_365, %dma_start3A_366] : memref<2x4x200xi32, #tpu.memory_space<vmem>> -> memref<1x4x200xi32, #tpu.memory_space<vmem>>
    %dma_start3A_368 = tpu.memref_squeeze %dma_start3A_367 : memref<1x4x200xi32, #tpu.memory_space<vmem>> -> memref<4x200xi32, #tpu.memory_space<vmem>>
    %dma_start3A_369 = arith.constant 128 : i32
    %dma_start3A_370 = tpu.memref_slice %dma_start3A_368[%dma_start3A_353, %dma_start3A_369] : memref<4x200xi32, #tpu.memory_space<vmem>> -> memref<1x72xi32, #tpu.memory_space<vmem>>
    %dma_start3A_371 = tpu.memref_squeeze %dma_start3A_370 : memref<1x72xi32, #tpu.memory_space<vmem>> -> memref<72xi32, #tpu.memory_space<vmem>>
    %dma_start3A_372 = arith.constant 0 : i32
    %dma_start3A_373 = arith.constant 0 : i32
    %dma_start3A_374 = tpu.memref_slice %arg3[%dma_start3A_372, %dma_start3A_373] : memref<1000000x64xf32, #tpu.memory_space<hbm>> -> memref<1000000x64xf32, #tpu.memory_space<hbm>>
    tpu.enqueue_indirect_dma source(%dma_start3A_374 : memref<1000000x64xf32, #tpu.memory_space<hbm>>) target(%dma_start3A_364 : memref<72x64xf32, #tpu.memory_space<vmem>>) offsets(%dma_start3A_371 : memref<72xi32, #tpu.memory_space<vmem>>) semaphore(%arg8 : memref<!tpu.dma_semaphore, #tpu.memory_space<semaphore_mem>>)
    %scan3A = arith.constant 0 : i32
    %scan3A_375 = arith.constant 0 : i32
    %scan3A_376 = arith.constant 15 : i32
    %scan3A_377 = arith.addi %scan3A_375, %scan3A_376 : i32
    %scan3A_378 = arith.constant 1 : i32
    %scan3A_379 = scf.for %scan3A_490 = %scan3A_375 to %scan3A_377 step %scan3A_378 iter_args(%scan3A_491 = %scan3A) -> (i32)  : i32 {
      %mul3A_492 = arith.constant 2 : i32
      %mul3A_493 = arith.muli %mul3A_492, %scan3A_490 : i32
      %add3A_494 = arith.constant 0 : i32
      %add3A_495 = arith.addi %mul3A_493, %add3A_494 : i32
      %dma_wait3A_496 = arith.constant 0 : i32
      %dma_wait3A_497 = arith.constant 0 : i32
      %dma_wait3A_498 = arith.constant 0 : i32
      %dma_wait3A_499 = arith.constant 0 : i32
      %dma_wait3A_500 = tpu.memref_slice %arg6[%dma_wait3A_496, %dma_wait3A_497, %dma_wait3A_498, %dma_wait3A_499] : memref<2x4x200x64xf32, #tpu.memory_space<vmem>> -> memref<1x4x200x64xf32, #tpu.memory_space<vmem>>
      %dma_wait3A_501 = tpu.memref_squeeze %dma_wait3A_500 : memref<1x4x200x64xf32, #tpu.memory_space<vmem>> -> memref<4x200x64xf32, #tpu.memory_space<vmem>>
      %dma_wait3A_502 = arith.constant 0 : i32
      %dma_wait3A_503 = arith.constant 0 : i32
      %dma_wait3A_504 = arith.constant 0 : i32
      %dma_wait3A_505 = tpu.memref_slice %arg4[%dma_wait3A_502, %dma_wait3A_503, %dma_wait3A_504] : memref<4096x200x64xf32, #tpu.memory_space<hbm>> -> memref<4x200x64xf32, #tpu.memory_space<hbm>>
      %dma_wait3A_506 = arith.constant 0 : i32
      %dma_wait3A_507 = arith.constant 0 : i32
      %dma_wait3A_508 = arith.constant 0 : i32
      %dma_wait3A_509 = tpu.memref_slice %arg6[%dma_wait3A_496, %dma_wait3A_506, %dma_wait3A_507, %dma_wait3A_508] : memref<2x4x200x64xf32, #tpu.memory_space<vmem>> -> memref<1x4x200x64xf32, #tpu.memory_space<vmem>>
      %dma_wait3A_510 = tpu.memref_squeeze %dma_wait3A_509 : memref<1x4x200x64xf32, #tpu.memory_space<vmem>> -> memref<4x200x64xf32, #tpu.memory_space<vmem>>
      %dma_wait3A_511 = arith.constant 0 : i32
      %dma_wait3A_512 = arith.constant 0 : i32
      %dma_wait3A_513 = arith.constant 0 : i32
      %dma_wait3A_514 = tpu.memref_slice %arg4[%dma_wait3A_511, %dma_wait3A_512, %dma_wait3A_513] : memref<4096x200x64xf32, #tpu.memory_space<hbm>> -> memref<4x200x64xf32, #tpu.memory_space<hbm>>
      tpu.wait_dma2 semaphore(%arg7 : memref<!tpu.dma_semaphore, #tpu.memory_space<semaphore_mem>>) src(%dma_wait3A_514 : memref<4x200x64xf32, #tpu.memory_space<hbm>>) dst(%dma_wait3A_510 : memref<4x200x64xf32, #tpu.memory_space<vmem>>)
      %mul3A_515 = arith.constant 4 : i32
      %mul3A_516 = arith.muli %add3A_495, %mul3A_515 : i32
      %add3A_517 = arith.addi %mul3A_2, %mul3A_516 : i32
      %dma_start3A_518 = arith.constant 0 : i32
      %dma_start3A_519 = arith.constant 0 : i32
      %dma_start3A_520 = arith.constant 0 : i32
      %dma_start3A_521 = arith.constant 0 : i32
      %dma_start3A_522 = tpu.memref_slice %arg6[%dma_start3A_518, %dma_start3A_519, %dma_start3A_520, %dma_start3A_521] : memref<2x4x200x64xf32, #tpu.memory_space<vmem>> -> memref<1x4x200x64xf32, #tpu.memory_space<vmem>>
      %dma_start3A_523 = tpu.memref_squeeze %dma_start3A_522 : memref<1x4x200x64xf32, #tpu.memory_space<vmem>> -> memref<4x200x64xf32, #tpu.memory_space<vmem>>
      %dma_start3A_524 = arith.constant 0 : i32
      %dma_start3A_525 = arith.constant 0 : i32
      %dma_start3A_526 = tpu.memref_slice %arg4[%add3A_517, %dma_start3A_524, %dma_start3A_525] : memref<4096x200x64xf32, #tpu.memory_space<hbm>> -> memref<4x200x64xf32, #tpu.memory_space<hbm>>
      %dma_start3A_527 = arith.constant 0 : i32
      %dma_start3A_528 = arith.constant 0 : i32
      %dma_start3A_529 = tpu.memref_slice %arg4[%add3A_517, %dma_start3A_527, %dma_start3A_528] : memref<4096x200x64xf32, #tpu.memory_space<hbm>> -> memref<4x200x64xf32, #tpu.memory_space<hbm>>
      %dma_start3A_530 = arith.constant 0 : i32
      %dma_start3A_531 = arith.constant 0 : i32
      %dma_start3A_532 = arith.constant 0 : i32
      %dma_start3A_533 = tpu.memref_slice %arg6[%dma_start3A_518, %dma_start3A_530, %dma_start3A_531, %dma_start3A_532] : memref<2x4x200x64xf32, #tpu.memory_space<vmem>> -> memref<1x4x200x64xf32, #tpu.memory_space<vmem>>
      %dma_start3A_534 = tpu.memref_squeeze %dma_start3A_533 : memref<1x4x200x64xf32, #tpu.memory_space<vmem>> -> memref<4x200x64xf32, #tpu.memory_space<vmem>>
      tpu.enqueue_dma source(%dma_start3A_534 : memref<4x200x64xf32, #tpu.memory_space<vmem>>) target(%dma_start3A_529 : memref<4x200x64xf32, #tpu.memory_space<hbm>>) target_semaphore(%arg9 : memref<!tpu.dma_semaphore, #tpu.memory_space<semaphore_mem>>)
      %add3A_535 = arith.constant 2 : i32
      %add3A_536 = arith.addi %add3A_495, %add3A_535 : i32
      %mul3A_537 = arith.constant 4 : i32
      %mul3A_538 = arith.muli %add3A_536, %mul3A_537 : i32
      %add3A_539 = arith.addi %mul3A_2, %mul3A_538 : i32
      %run_scoped3A_540 = arith.constant 0 : i32
      "tpu.region"() ({
        %run_scoped3A_993 = tpu.sem_alloc : memref<!tpu.dma_semaphore, #tpu.memory_space<semaphore_mem>>
        %dma_start3A_994 = arith.constant 0 : i32
        %dma_start3A_995 = arith.constant 0 : i32
        %dma_start3A_996 = tpu.memref_slice %arg5[%run_scoped3A_540, %dma_start3A_994, %dma_start3A_995] : memref<2x4x200xi32, #tpu.memory_space<vmem>> -> memref<1x4x200xi32, #tpu.memory_space<vmem>>
        %dma_start3A_997 = tpu.memref_squeeze %dma_start3A_996 : memref<1x4x200xi32, #tpu.memory_space<vmem>> -> memref<4x200xi32, #tpu.memory_space<vmem>>
        %dma_start3A_998 = arith.constant 0 : i32
        %dma_start3A_999 = tpu.memref_slice %arg2[%add3A_539, %dma_start3A_998] : memref<4096x200xi32, #tpu.memory_space<hbm>> -> memref<4x200xi32, #tpu.memory_space<hbm>>
        %dma_start3A_1000 = arith.constant 0 : i32
        %dma_start3A_1001 = arith.constant 0 : i32
        %dma_start3A_1002 = tpu.memref_slice %arg5[%run_scoped3A_540, %dma_start3A_1000, %dma_start3A_1001] : memref<2x4x200xi32, #tpu.memory_space<vmem>> -> memref<1x4x200xi32, #tpu.memory_space<vmem>>
        %dma_start3A_1003 = tpu.memref_squeeze %dma_start3A_1002 : memref<1x4x200xi32, #tpu.memory_space<vmem>> -> memref<4x200xi32, #tpu.memory_space<vmem>>
        %dma_start3A_1004 = arith.constant 0 : i32
        %dma_start3A_1005 = tpu.memref_slice %arg2[%add3A_539, %dma_start3A_1004] : memref<4096x200xi32, #tpu.memory_space<hbm>> -> memref<4x200xi32, #tpu.memory_space<hbm>>
        tpu.enqueue_dma source(%dma_start3A_1005 : memref<4x200xi32, #tpu.memory_space<hbm>>) target(%dma_start3A_1003 : memref<4x200xi32, #tpu.memory_space<vmem>>) target_semaphore(%run_scoped3A_993 : memref<!tpu.dma_semaphore, #tpu.memory_space<semaphore_mem>>)
        %dma_wait3A_1006 = arith.constant 0 : i32
        %dma_wait3A_1007 = arith.constant 0 : i32
        %dma_wait3A_1008 = tpu.memref_slice %arg5[%run_scoped3A_540, %dma_wait3A_1006, %dma_wait3A_1007] : memref<2x4x200xi32, #tpu.memory_space<vmem>> -> memref<1x4x200xi32, #tpu.memory_space<vmem>>
        %dma_wait3A_1009 = tpu.memref_squeeze %dma_wait3A_1008 : memref<1x4x200xi32, #tpu.memory_space<vmem>> -> memref<4x200xi32, #tpu.memory_space<vmem>>
        %dma_wait3A_1010 = arith.constant 0 : i32
        %dma_wait3A_1011 = tpu.memref_slice %arg2[%add3A_539, %dma_wait3A_1010] : memref<4096x200xi32, #tpu.memory_space<hbm>> -> memref<4x200xi32, #tpu.memory_space<hbm>>
        %dma_wait3A_1012 = arith.constant 0 : i32
        %dma_wait3A_1013 = arith.constant 0 : i32
        %dma_wait3A_1014 = tpu.memref_slice %arg5[%run_scoped3A_540, %dma_wait3A_1012, %dma_wait3A_1013] : memref<2x4x200xi32, #tpu.memory_space<vmem>> -> memref<1x4x200xi32, #tpu.memory_space<vmem>>
        %dma_wait3A_1015 = tpu.memref_squeeze %dma_wait3A_1014 : memref<1x4x200xi32, #tpu.memory_space<vmem>> -> memref<4x200xi32, #tpu.memory_space<vmem>>
        %dma_wait3A_1016 = arith.constant 0 : i32
        %dma_wait3A_1017 = tpu.memref_slice %arg2[%add3A_539, %dma_wait3A_1016] : memref<4096x200xi32, #tpu.memory_space<hbm>> -> memref<4x200xi32, #tpu.memory_space<hbm>>
        tpu.wait_dma2 semaphore(%run_scoped3A_993 : memref<!tpu.dma_semaphore, #tpu.memory_space<semaphore_mem>>) src(%dma_wait3A_1017 : memref<4x200xi32, #tpu.memory_space<hbm>>) dst(%dma_wait3A_1015 : memref<4x200xi32, #tpu.memory_space<vmem>>)
        tpu.yield
      }) : () -> ()
      %dma_wait3A_541 = arith.constant 0 : i32
      %dma_wait3A_542 = arith.constant 0 : i32
      %dma_wait3A_543 = arith.constant 0 : i32
      %dma_wait3A_544 = arith.constant 0 : i32
      %dma_wait3A_545 = tpu.memref_slice %arg6[%dma_wait3A_541, %dma_wait3A_542, %dma_wait3A_543, %dma_wait3A_544] : memref<2x4x200x64xf32, #tpu.memory_space<vmem>> -> memref<1x4x200x64xf32, #tpu.memory_space<vmem>>
      %dma_wait3A_546 = tpu.memref_squeeze %dma_wait3A_545 : memref<1x4x200x64xf32, #tpu.memory_space<vmem>> -> memref<4x200x64xf32, #tpu.memory_space<vmem>>
      %dma_wait3A_547 = arith.constant 0 : i32
      %dma_wait3A_548 = arith.constant 0 : i32
      %dma_wait3A_549 = tpu.memref_slice %arg4[%add3A_517, %dma_wait3A_547, %dma_wait3A_548] : memref<4096x200x64xf32, #tpu.memory_space<hbm>> -> memref<4x200x64xf32, #tpu.memory_space<hbm>>
      %dma_wait3A_550 = arith.constant 0 : i32
      %dma_wait3A_551 = arith.constant 0 : i32
      %dma_wait3A_552 = tpu.memref_slice %arg4[%add3A_517, %dma_wait3A_550, %dma_wait3A_551] : memref<4096x200x64xf32, #tpu.memory_space<hbm>> -> memref<4x200x64xf32, #tpu.memory_space<hbm>>
      %dma_wait3A_553 = arith.constant 0 : i32
      %dma_wait3A_554 = arith.constant 0 : i32
      %dma_wait3A_555 = arith.constant 0 : i32
      %dma_wait3A_556 = tpu.memref_slice %arg6[%dma_wait3A_541, %dma_wait3A_553, %dma_wait3A_554, %dma_wait3A_555] : memref<2x4x200x64xf32, #tpu.memory_space<vmem>> -> memref<1x4x200x64xf32, #tpu.memory_space<vmem>>
      %dma_wait3A_557 = tpu.memref_squeeze %dma_wait3A_556 : memref<1x4x200x64xf32, #tpu.memory_space<vmem>> -> memref<4x200x64xf32, #tpu.memory_space<vmem>>
      tpu.wait_dma2 semaphore(%arg9 : memref<!tpu.dma_semaphore, #tpu.memory_space<semaphore_mem>>) src(%dma_wait3A_557 : memref<4x200x64xf32, #tpu.memory_space<vmem>>) dst(%dma_wait3A_552 : memref<4x200x64xf32, #tpu.memory_space<hbm>>)
      %dma_start3A_558 = arith.constant 0 : i32
      %dma_start3A_559 = arith.constant 0 : i32
      %dma_start3A_560 = arith.constant 0 : i32
      %dma_start3A_561 = arith.constant 0 : i32
      %dma_start3A_562 = arith.constant 0 : i32
      %dma_start3A_563 = arith.constant 0 : i32
      %dma_start3A_564 = arith.constant 0 : i32
      %dma_start3A_565 = tpu.memref_slice %arg6[%dma_start3A_560, %dma_start3A_562, %dma_start3A_563, %dma_start3A_564] : memref<2x4x200x64xf32, #tpu.memory_space<vmem>> -> memref<1x4x200x64xf32, #tpu.memory_space<vmem>>
      %dma_start3A_566 = tpu.memref_squeeze %dma_start3A_565 : memref<1x4x200x64xf32, #tpu.memory_space<vmem>> -> memref<4x200x64xf32, #tpu.memory_space<vmem>>
      %dma_start3A_567 = arith.constant 0 : i32
      %dma_start3A_568 = arith.constant 0 : i32
      %dma_start3A_569 = tpu.memref_slice %dma_start3A_566[%dma_start3A_561, %dma_start3A_567, %dma_start3A_568] : memref<4x200x64xf32, #tpu.memory_space<vmem>> -> memref<1x128x64xf32, #tpu.memory_space<vmem>>
      %dma_start3A_570 = tpu.memref_squeeze %dma_start3A_569 : memref<1x128x64xf32, #tpu.memory_space<vmem>> -> memref<128x64xf32, #tpu.memory_space<vmem>>
      %dma_start3A_571 = arith.constant 0 : i32
      %dma_start3A_572 = arith.constant 0 : i32
      %dma_start3A_573 = tpu.memref_slice %arg5[%dma_start3A_558, %dma_start3A_571, %dma_start3A_572] : memref<2x4x200xi32, #tpu.memory_space<vmem>> -> memref<1x4x200xi32, #tpu.memory_space<vmem>>
      %dma_start3A_574 = tpu.memref_squeeze %dma_start3A_573 : memref<1x4x200xi32, #tpu.memory_space<vmem>> -> memref<4x200xi32, #tpu.memory_space<vmem>>
      %dma_start3A_575 = arith.constant 0 : i32
      %dma_start3A_576 = tpu.memref_slice %dma_start3A_574[%dma_start3A_559, %dma_start3A_575] : memref<4x200xi32, #tpu.memory_space<vmem>> -> memref<1x128xi32, #tpu.memory_space<vmem>>
      %dma_start3A_577 = tpu.memref_squeeze %dma_start3A_576 : memref<1x128xi32, #tpu.memory_space<vmem>> -> memref<128xi32, #tpu.memory_space<vmem>>
      %dma_start3A_578 = arith.constant 0 : i32
      %dma_start3A_579 = arith.constant 0 : i32
      %dma_start3A_580 = tpu.memref_slice %arg3[%dma_start3A_578, %dma_start3A_579] : memref<1000000x64xf32, #tpu.memory_space<hbm>> -> memref<1000000x64xf32, #tpu.memory_space<hbm>>
      tpu.enqueue_indirect_dma source(%dma_start3A_580 : memref<1000000x64xf32, #tpu.memory_space<hbm>>) target(%dma_start3A_570 : memref<128x64xf32, #tpu.memory_space<vmem>>) offsets(%dma_start3A_577 : memref<128xi32, #tpu.memory_space<vmem>>) semaphore(%arg7 : memref<!tpu.dma_semaphore, #tpu.memory_space<semaphore_mem>>)
      %dma_start3A_581 = arith.constant 0 : i32
      %dma_start3A_582 = arith.constant 0 : i32
      %dma_start3A_583 = arith.constant 0 : i32
      %dma_start3A_584 = arith.constant 0 : i32
      %dma_start3A_585 = arith.constant 0 : i32
      %dma_start3A_586 = arith.constant 0 : i32
      %dma_start3A_587 = arith.constant 0 : i32
      %dma_start3A_588 = tpu.memref_slice %arg6[%dma_start3A_583, %dma_start3A_585, %dma_start3A_586, %dma_start3A_587] : memref<2x4x200x64xf32, #tpu.memory_space<vmem>> -> memref<1x4x200x64xf32, #tpu.memory_space<vmem>>
      %dma_start3A_589 = tpu.memref_squeeze %dma_start3A_588 : memref<1x4x200x64xf32, #tpu.memory_space<vmem>> -> memref<4x200x64xf32, #tpu.memory_space<vmem>>
      %dma_start3A_590 = arith.constant 128 : i32
      %dma_start3A_591 = arith.constant 0 : i32
      %dma_start3A_592 = tpu.memref_slice %dma_start3A_589[%dma_start3A_584, %dma_start3A_590, %dma_start3A_591] : memref<4x200x64xf32, #tpu.memory_space<vmem>> -> memref<1x72x64xf32, #tpu.memory_space<vmem>>
      %dma_start3A_593 = tpu.memref_squeeze %dma_start3A_592 : memref<1x72x64xf32, #tpu.memory_space<vmem>> -> memref<72x64xf32, #tpu.memory_space<vmem>>
      %dma_start3A_594 = arith.constant 0 : i32
      %dma_start3A_595 = arith.constant 0 : i32
      %dma_start3A_596 = tpu.memref_slice %arg5[%dma_start3A_581, %dma_start3A_594, %dma_start3A_595] : memref<2x4x200xi32, #tpu.memory_space<vmem>> -> memref<1x4x200xi32, #tpu.memory_space<vmem>>
      %dma_start3A_597 = tpu.memref_squeeze %dma_start3A_596 : memref<1x4x200xi32, #tpu.memory_space<vmem>> -> memref<4x200xi32, #tpu.memory_space<vmem>>
      %dma_start3A_598 = arith.constant 128 : i32
      %dma_start3A_599 = tpu.memref_slice %dma_start3A_597[%dma_start3A_582, %dma_start3A_598] : memref<4x200xi32, #tpu.memory_space<vmem>> -> memref<1x72xi32, #tpu.memory_space<vmem>>
      %dma_start3A_600 = tpu.memref_squeeze %dma_start3A_599 : memref<1x72xi32, #tpu.memory_space<vmem>> -> memref<72xi32, #tpu.memory_space<vmem>>
      %dma_start3A_601 = arith.constant 0 : i32
      %dma_start3A_602 = arith.constant 0 : i32
      %dma_start3A_603 = tpu.memref_slice %arg3[%dma_start3A_601, %dma_start3A_602] : memref<1000000x64xf32, #tpu.memory_space<hbm>> -> memref<1000000x64xf32, #tpu.memory_space<hbm>>
      tpu.enqueue_indirect_dma source(%dma_start3A_603 : memref<1000000x64xf32, #tpu.memory_space<hbm>>) target(%dma_start3A_593 : memref<72x64xf32, #tpu.memory_space<vmem>>) offsets(%dma_start3A_600 : memref<72xi32, #tpu.memory_space<vmem>>) semaphore(%arg7 : memref<!tpu.dma_semaphore, #tpu.memory_space<semaphore_mem>>)
      %dma_start3A_604 = arith.constant 0 : i32
      %dma_start3A_605 = arith.constant 1 : i32
      %dma_start3A_606 = arith.constant 0 : i32
      %dma_start3A_607 = arith.constant 1 : i32
      %dma_start3A_608 = arith.constant 0 : i32
      %dma_start3A_609 = arith.constant 0 : i32
      %dma_start3A_610 = arith.constant 0 : i32
      %dma_start3A_611 = tpu.memref_slice %arg6[%dma_start3A_606, %dma_start3A_608, %dma_start3A_609, %dma_start3A_610] : memref<2x4x200x64xf32, #tpu.memory_space<vmem>> -> memref<1x4x200x64xf32, #tpu.memory_space<vmem>>
      %dma_start3A_612 = tpu.memref_squeeze %dma_start3A_611 : memref<1x4x200x64xf32, #tpu.memory_space<vmem>> -> memref<4x200x64xf32, #tpu.memory_space<vmem>>
      %dma_start3A_613 = arith.constant 0 : i32
      %dma_start3A_614 = arith.constant 0 : i32
      %dma_start3A_615 = tpu.memref_slice %dma_start3A_612[%dma_start3A_607, %dma_start3A_613, %dma_start3A_614] : memref<4x200x64xf32, #tpu.memory_space<vmem>> -> memref<1x128x64xf32, #tpu.memory_space<vmem>>
      %dma_start3A_616 = tpu.memref_squeeze %dma_start3A_615 : memref<1x128x64xf32, #tpu.memory_space<vmem>> -> memref<128x64xf32, #tpu.memory_space<vmem>>
      %dma_start3A_617 = arith.constant 0 : i32
      %dma_start3A_618 = arith.constant 0 : i32
      %dma_start3A_619 = tpu.memref_slice %arg5[%dma_start3A_604, %dma_start3A_617, %dma_start3A_618] : memref<2x4x200xi32, #tpu.memory_space<vmem>> -> memref<1x4x200xi32, #tpu.memory_space<vmem>>
      %dma_start3A_620 = tpu.memref_squeeze %dma_start3A_619 : memref<1x4x200xi32, #tpu.memory_space<vmem>> -> memref<4x200xi32, #tpu.memory_space<vmem>>
      %dma_start3A_621 = arith.constant 0 : i32
      %dma_start3A_622 = tpu.memref_slice %dma_start3A_620[%dma_start3A_605, %dma_start3A_621] : memref<4x200xi32, #tpu.memory_space<vmem>> -> memref<1x128xi32, #tpu.memory_space<vmem>>
      %dma_start3A_623 = tpu.memref_squeeze %dma_start3A_622 : memref<1x128xi32, #tpu.memory_space<vmem>> -> memref<128xi32, #tpu.memory_space<vmem>>
      %dma_start3A_624 = arith.constant 0 : i32
      %dma_start3A_625 = arith.constant 0 : i32
      %dma_start3A_626 = tpu.memref_slice %arg3[%dma_start3A_624, %dma_start3A_625] : memref<1000000x64xf32, #tpu.memory_space<hbm>> -> memref<1000000x64xf32, #tpu.memory_space<hbm>>
      tpu.enqueue_indirect_dma source(%dma_start3A_626 : memref<1000000x64xf32, #tpu.memory_space<hbm>>) target(%dma_start3A_616 : memref<128x64xf32, #tpu.memory_space<vmem>>) offsets(%dma_start3A_623 : memref<128xi32, #tpu.memory_space<vmem>>) semaphore(%arg7 : memref<!tpu.dma_semaphore, #tpu.memory_space<semaphore_mem>>)
      %dma_start3A_627 = arith.constant 0 : i32
      %dma_start3A_628 = arith.constant 1 : i32
      %dma_start3A_629 = arith.constant 0 : i32
      %dma_start3A_630 = arith.constant 1 : i32
      %dma_start3A_631 = arith.constant 0 : i32
      %dma_start3A_632 = arith.constant 0 : i32
      %dma_start3A_633 = arith.constant 0 : i32
      %dma_start3A_634 = tpu.memref_slice %arg6[%dma_start3A_629, %dma_start3A_631, %dma_start3A_632, %dma_start3A_633] : memref<2x4x200x64xf32, #tpu.memory_space<vmem>> -> memref<1x4x200x64xf32, #tpu.memory_space<vmem>>
      %dma_start3A_635 = tpu.memref_squeeze %dma_start3A_634 : memref<1x4x200x64xf32, #tpu.memory_space<vmem>> -> memref<4x200x64xf32, #tpu.memory_space<vmem>>
      %dma_start3A_636 = arith.constant 128 : i32
      %dma_start3A_637 = arith.constant 0 : i32
      %dma_start3A_638 = tpu.memref_slice %dma_start3A_635[%dma_start3A_630, %dma_start3A_636, %dma_start3A_637] : memref<4x200x64xf32, #tpu.memory_space<vmem>> -> memref<1x72x64xf32, #tpu.memory_space<vmem>>
      %dma_start3A_639 = tpu.memref_squeeze %dma_start3A_638 : memref<1x72x64xf32, #tpu.memory_space<vmem>> -> memref<72x64xf32, #tpu.memory_space<vmem>>
      %dma_start3A_640 = arith.constant 0 : i32
      %dma_start3A_641 = arith.constant 0 : i32
      %dma_start3A_642 = tpu.memref_slice %arg5[%dma_start3A_627, %dma_start3A_640, %dma_start3A_641] : memref<2x4x200xi32, #tpu.memory_space<vmem>> -> memref<1x4x200xi32, #tpu.memory_space<vmem>>
      %dma_start3A_643 = tpu.memref_squeeze %dma_start3A_642 : memref<1x4x200xi32, #tpu.memory_space<vmem>> -> memref<4x200xi32, #tpu.memory_space<vmem>>
      %dma_start3A_644 = arith.constant 128 : i32
      %dma_start3A_645 = tpu.memref_slice %dma_start3A_643[%dma_start3A_628, %dma_start3A_644] : memref<4x200xi32, #tpu.memory_space<vmem>> -> memref<1x72xi32, #tpu.memory_space<vmem>>
      %dma_start3A_646 = tpu.memref_squeeze %dma_start3A_645 : memref<1x72xi32, #tpu.memory_space<vmem>> -> memref<72xi32, #tpu.memory_space<vmem>>
      %dma_start3A_647 = arith.constant 0 : i32
      %dma_start3A_648 = arith.constant 0 : i32
      %dma_start3A_649 = tpu.memref_slice %arg3[%dma_start3A_647, %dma_start3A_648] : memref<1000000x64xf32, #tpu.memory_space<hbm>> -> memref<1000000x64xf32, #tpu.memory_space<hbm>>
      tpu.enqueue_indirect_dma source(%dma_start3A_649 : memref<1000000x64xf32, #tpu.memory_space<hbm>>) target(%dma_start3A_639 : memref<72x64xf32, #tpu.memory_space<vmem>>) offsets(%dma_start3A_646 : memref<72xi32, #tpu.memory_space<vmem>>) semaphore(%arg7 : memref<!tpu.dma_semaphore, #tpu.memory_space<semaphore_mem>>)
      %dma_start3A_650 = arith.constant 0 : i32
      %dma_start3A_651 = arith.constant 2 : i32
      %dma_start3A_652 = arith.constant 0 : i32
      %dma_start3A_653 = arith.constant 2 : i32
      %dma_start3A_654 = arith.constant 0 : i32
      %dma_start3A_655 = arith.constant 0 : i32
      %dma_start3A_656 = arith.constant 0 : i32
      %dma_start3A_657 = tpu.memref_slice %arg6[%dma_start3A_652, %dma_start3A_654, %dma_start3A_655, %dma_start3A_656] : memref<2x4x200x64xf32, #tpu.memory_space<vmem>> -> memref<1x4x200x64xf32, #tpu.memory_space<vmem>>
      %dma_start3A_658 = tpu.memref_squeeze %dma_start3A_657 : memref<1x4x200x64xf32, #tpu.memory_space<vmem>> -> memref<4x200x64xf32, #tpu.memory_space<vmem>>
      %dma_start3A_659 = arith.constant 0 : i32
      %dma_start3A_660 = arith.constant 0 : i32
      %dma_start3A_661 = tpu.memref_slice %dma_start3A_658[%dma_start3A_653, %dma_start3A_659, %dma_start3A_660] : memref<4x200x64xf32, #tpu.memory_space<vmem>> -> memref<1x128x64xf32, #tpu.memory_space<vmem>>
      %dma_start3A_662 = tpu.memref_squeeze %dma_start3A_661 : memref<1x128x64xf32, #tpu.memory_space<vmem>> -> memref<128x64xf32, #tpu.memory_space<vmem>>
      %dma_start3A_663 = arith.constant 0 : i32
      %dma_start3A_664 = arith.constant 0 : i32
      %dma_start3A_665 = tpu.memref_slice %arg5[%dma_start3A_650, %dma_start3A_663, %dma_start3A_664] : memref<2x4x200xi32, #tpu.memory_space<vmem>> -> memref<1x4x200xi32, #tpu.memory_space<vmem>>
      %dma_start3A_666 = tpu.memref_squeeze %dma_start3A_665 : memref<1x4x200xi32, #tpu.memory_space<vmem>> -> memref<4x200xi32, #tpu.memory_space<vmem>>
      %dma_start3A_667 = arith.constant 0 : i32
      %dma_start3A_668 = tpu.memref_slice %dma_start3A_666[%dma_start3A_651, %dma_start3A_667] : memref<4x200xi32, #tpu.memory_space<vmem>> -> memref<1x128xi32, #tpu.memory_space<vmem>>
      %dma_start3A_669 = tpu.memref_squeeze %dma_start3A_668 : memref<1x128xi32, #tpu.memory_space<vmem>> -> memref<128xi32, #tpu.memory_space<vmem>>
      %dma_start3A_670 = arith.constant 0 : i32
      %dma_start3A_671 = arith.constant 0 : i32
      %dma_start3A_672 = tpu.memref_slice %arg3[%dma_start3A_670, %dma_start3A_671] : memref<1000000x64xf32, #tpu.memory_space<hbm>> -> memref<1000000x64xf32, #tpu.memory_space<hbm>>
      tpu.enqueue_indirect_dma source(%dma_start3A_672 : memref<1000000x64xf32, #tpu.memory_space<hbm>>) target(%dma_start3A_662 : memref<128x64xf32, #tpu.memory_space<vmem>>) offsets(%dma_start3A_669 : memref<128xi32, #tpu.memory_space<vmem>>) semaphore(%arg7 : memref<!tpu.dma_semaphore, #tpu.memory_space<semaphore_mem>>)
      %dma_start3A_673 = arith.constant 0 : i32
      %dma_start3A_674 = arith.constant 2 : i32
      %dma_start3A_675 = arith.constant 0 : i32
      %dma_start3A_676 = arith.constant 2 : i32
      %dma_start3A_677 = arith.constant 0 : i32
      %dma_start3A_678 = arith.constant 0 : i32
      %dma_start3A_679 = arith.constant 0 : i32
      %dma_start3A_680 = tpu.memref_slice %arg6[%dma_start3A_675, %dma_start3A_677, %dma_start3A_678, %dma_start3A_679] : memref<2x4x200x64xf32, #tpu.memory_space<vmem>> -> memref<1x4x200x64xf32, #tpu.memory_space<vmem>>
      %dma_start3A_681 = tpu.memref_squeeze %dma_start3A_680 : memref<1x4x200x64xf32, #tpu.memory_space<vmem>> -> memref<4x200x64xf32, #tpu.memory_space<vmem>>
      %dma_start3A_682 = arith.constant 128 : i32
      %dma_start3A_683 = arith.constant 0 : i32
      %dma_start3A_684 = tpu.memref_slice %dma_start3A_681[%dma_start3A_676, %dma_start3A_682, %dma_start3A_683] : memref<4x200x64xf32, #tpu.memory_space<vmem>> -> memref<1x72x64xf32, #tpu.memory_space<vmem>>
      %dma_start3A_685 = tpu.memref_squeeze %dma_start3A_684 : memref<1x72x64xf32, #tpu.memory_space<vmem>> -> memref<72x64xf32, #tpu.memory_space<vmem>>
      %dma_start3A_686 = arith.constant 0 : i32
      %dma_start3A_687 = arith.constant 0 : i32
      %dma_start3A_688 = tpu.memref_slice %arg5[%dma_start3A_673, %dma_start3A_686, %dma_start3A_687] : memref<2x4x200xi32, #tpu.memory_space<vmem>> -> memref<1x4x200xi32, #tpu.memory_space<vmem>>
      %dma_start3A_689 = tpu.memref_squeeze %dma_start3A_688 : memref<1x4x200xi32, #tpu.memory_space<vmem>> -> memref<4x200xi32, #tpu.memory_space<vmem>>
      %dma_start3A_690 = arith.constant 128 : i32
      %dma_start3A_691 = tpu.memref_slice %dma_start3A_689[%dma_start3A_674, %dma_start3A_690] : memref<4x200xi32, #tpu.memory_space<vmem>> -> memref<1x72xi32, #tpu.memory_space<vmem>>
      %dma_start3A_692 = tpu.memref_squeeze %dma_start3A_691 : memref<1x72xi32, #tpu.memory_space<vmem>> -> memref<72xi32, #tpu.memory_space<vmem>>
      %dma_start3A_693 = arith.constant 0 : i32
      %dma_start3A_694 = arith.constant 0 : i32
      %dma_start3A_695 = tpu.memref_slice %arg3[%dma_start3A_693, %dma_start3A_694] : memref<1000000x64xf32, #tpu.memory_space<hbm>> -> memref<1000000x64xf32, #tpu.memory_space<hbm>>
      tpu.enqueue_indirect_dma source(%dma_start3A_695 : memref<1000000x64xf32, #tpu.memory_space<hbm>>) target(%dma_start3A_685 : memref<72x64xf32, #tpu.memory_space<vmem>>) offsets(%dma_start3A_692 : memref<72xi32, #tpu.memory_space<vmem>>) semaphore(%arg7 : memref<!tpu.dma_semaphore, #tpu.memory_space<semaphore_mem>>)
      %dma_start3A_696 = arith.constant 0 : i32
      %dma_start3A_697 = arith.constant 3 : i32
      %dma_start3A_698 = arith.constant 0 : i32
      %dma_start3A_699 = arith.constant 3 : i32
      %dma_start3A_700 = arith.constant 0 : i32
      %dma_start3A_701 = arith.constant 0 : i32
      %dma_start3A_702 = arith.constant 0 : i32
      %dma_start3A_703 = tpu.memref_slice %arg6[%dma_start3A_698, %dma_start3A_700, %dma_start3A_701, %dma_start3A_702] : memref<2x4x200x64xf32, #tpu.memory_space<vmem>> -> memref<1x4x200x64xf32, #tpu.memory_space<vmem>>
      %dma_start3A_704 = tpu.memref_squeeze %dma_start3A_703 : memref<1x4x200x64xf32, #tpu.memory_space<vmem>> -> memref<4x200x64xf32, #tpu.memory_space<vmem>>
      %dma_start3A_705 = arith.constant 0 : i32
      %dma_start3A_706 = arith.constant 0 : i32
      %dma_start3A_707 = tpu.memref_slice %dma_start3A_704[%dma_start3A_699, %dma_start3A_705, %dma_start3A_706] : memref<4x200x64xf32, #tpu.memory_space<vmem>> -> memref<1x128x64xf32, #tpu.memory_space<vmem>>
      %dma_start3A_708 = tpu.memref_squeeze %dma_start3A_707 : memref<1x128x64xf32, #tpu.memory_space<vmem>> -> memref<128x64xf32, #tpu.memory_space<vmem>>
      %dma_start3A_709 = arith.constant 0 : i32
      %dma_start3A_710 = arith.constant 0 : i32
      %dma_start3A_711 = tpu.memref_slice %arg5[%dma_start3A_696, %dma_start3A_709, %dma_start3A_710] : memref<2x4x200xi32, #tpu.memory_space<vmem>> -> memref<1x4x200xi32, #tpu.memory_space<vmem>>
      %dma_start3A_712 = tpu.memref_squeeze %dma_start3A_711 : memref<1x4x200xi32, #tpu.memory_space<vmem>> -> memref<4x200xi32, #tpu.memory_space<vmem>>
      %dma_start3A_713 = arith.constant 0 : i32
      %dma_start3A_714 = tpu.memref_slice %dma_start3A_712[%dma_start3A_697, %dma_start3A_713] : memref<4x200xi32, #tpu.memory_space<vmem>> -> memref<1x128xi32, #tpu.memory_space<vmem>>
      %dma_start3A_715 = tpu.memref_squeeze %dma_start3A_714 : memref<1x128xi32, #tpu.memory_space<vmem>> -> memref<128xi32, #tpu.memory_space<vmem>>
      %dma_start3A_716 = arith.constant 0 : i32
      %dma_start3A_717 = arith.constant 0 : i32
      %dma_start3A_718 = tpu.memref_slice %arg3[%dma_start3A_716, %dma_start3A_717] : memref<1000000x64xf32, #tpu.memory_space<hbm>> -> memref<1000000x64xf32, #tpu.memory_space<hbm>>
      tpu.enqueue_indirect_dma source(%dma_start3A_718 : memref<1000000x64xf32, #tpu.memory_space<hbm>>) target(%dma_start3A_708 : memref<128x64xf32, #tpu.memory_space<vmem>>) offsets(%dma_start3A_715 : memref<128xi32, #tpu.memory_space<vmem>>) semaphore(%arg7 : memref<!tpu.dma_semaphore, #tpu.memory_space<semaphore_mem>>)
      %dma_start3A_719 = arith.constant 0 : i32
      %dma_start3A_720 = arith.constant 3 : i32
      %dma_start3A_721 = arith.constant 0 : i32
      %dma_start3A_722 = arith.constant 3 : i32
      %dma_start3A_723 = arith.constant 0 : i32
      %dma_start3A_724 = arith.constant 0 : i32
      %dma_start3A_725 = arith.constant 0 : i32
      %dma_start3A_726 = tpu.memref_slice %arg6[%dma_start3A_721, %dma_start3A_723, %dma_start3A_724, %dma_start3A_725] : memref<2x4x200x64xf32, #tpu.memory_space<vmem>> -> memref<1x4x200x64xf32, #tpu.memory_space<vmem>>
      %dma_start3A_727 = tpu.memref_squeeze %dma_start3A_726 : memref<1x4x200x64xf32, #tpu.memory_space<vmem>> -> memref<4x200x64xf32, #tpu.memory_space<vmem>>
      %dma_start3A_728 = arith.constant 128 : i32
      %dma_start3A_729 = arith.constant 0 : i32
      %dma_start3A_730 = tpu.memref_slice %dma_start3A_727[%dma_start3A_722, %dma_start3A_728, %dma_start3A_729] : memref<4x200x64xf32, #tpu.memory_space<vmem>> -> memref<1x72x64xf32, #tpu.memory_space<vmem>>
      %dma_start3A_731 = tpu.memref_squeeze %dma_start3A_730 : memref<1x72x64xf32, #tpu.memory_space<vmem>> -> memref<72x64xf32, #tpu.memory_space<vmem>>
      %dma_start3A_732 = arith.constant 0 : i32
      %dma_start3A_733 = arith.constant 0 : i32
      %dma_start3A_734 = tpu.memref_slice %arg5[%dma_start3A_719, %dma_start3A_732, %dma_start3A_733] : memref<2x4x200xi32, #tpu.memory_space<vmem>> -> memref<1x4x200xi32, #tpu.memory_space<vmem>>
      %dma_start3A_735 = tpu.memref_squeeze %dma_start3A_734 : memref<1x4x200xi32, #tpu.memory_space<vmem>> -> memref<4x200xi32, #tpu.memory_space<vmem>>
      %dma_start3A_736 = arith.constant 128 : i32
      %dma_start3A_737 = tpu.memref_slice %dma_start3A_735[%dma_start3A_720, %dma_start3A_736] : memref<4x200xi32, #tpu.memory_space<vmem>> -> memref<1x72xi32, #tpu.memory_space<vmem>>
      %dma_start3A_738 = tpu.memref_squeeze %dma_start3A_737 : memref<1x72xi32, #tpu.memory_space<vmem>> -> memref<72xi32, #tpu.memory_space<vmem>>
      %dma_start3A_739 = arith.constant 0 : i32
      %dma_start3A_740 = arith.constant 0 : i32
      %dma_start3A_741 = tpu.memref_slice %arg3[%dma_start3A_739, %dma_start3A_740] : memref<1000000x64xf32, #tpu.memory_space<hbm>> -> memref<1000000x64xf32, #tpu.memory_space<hbm>>
      tpu.enqueue_indirect_dma source(%dma_start3A_741 : memref<1000000x64xf32, #tpu.memory_space<hbm>>) target(%dma_start3A_731 : memref<72x64xf32, #tpu.memory_space<vmem>>) offsets(%dma_start3A_738 : memref<72xi32, #tpu.memory_space<vmem>>) semaphore(%arg7 : memref<!tpu.dma_semaphore, #tpu.memory_space<semaphore_mem>>)
      %mul3A_742 = arith.constant 2 : i32
      %mul3A_743 = arith.muli %mul3A_742, %scan3A_490 : i32
      %add3A_744 = arith.constant 1 : i32
      %add3A_745 = arith.addi %mul3A_743, %add3A_744 : i32
      %dma_wait3A_746 = arith.constant 1 : i32
      %dma_wait3A_747 = arith.constant 0 : i32
      %dma_wait3A_748 = arith.constant 0 : i32
      %dma_wait3A_749 = arith.constant 0 : i32
      %dma_wait3A_750 = tpu.memref_slice %arg6[%dma_wait3A_746, %dma_wait3A_747, %dma_wait3A_748, %dma_wait3A_749] : memref<2x4x200x64xf32, #tpu.memory_space<vmem>> -> memref<1x4x200x64xf32, #tpu.memory_space<vmem>>
      %dma_wait3A_751 = tpu.memref_squeeze %dma_wait3A_750 : memref<1x4x200x64xf32, #tpu.memory_space<vmem>> -> memref<4x200x64xf32, #tpu.memory_space<vmem>>
      %dma_wait3A_752 = arith.constant 0 : i32
      %dma_wait3A_753 = arith.constant 0 : i32
      %dma_wait3A_754 = arith.constant 0 : i32
      %dma_wait3A_755 = tpu.memref_slice %arg4[%dma_wait3A_752, %dma_wait3A_753, %dma_wait3A_754] : memref<4096x200x64xf32, #tpu.memory_space<hbm>> -> memref<4x200x64xf32, #tpu.memory_space<hbm>>
      %dma_wait3A_756 = arith.constant 0 : i32
      %dma_wait3A_757 = arith.constant 0 : i32
      %dma_wait3A_758 = arith.constant 0 : i32
      %dma_wait3A_759 = tpu.memref_slice %arg6[%dma_wait3A_746, %dma_wait3A_756, %dma_wait3A_757, %dma_wait3A_758] : memref<2x4x200x64xf32, #tpu.memory_space<vmem>> -> memref<1x4x200x64xf32, #tpu.memory_space<vmem>>
      %dma_wait3A_760 = tpu.memref_squeeze %dma_wait3A_759 : memref<1x4x200x64xf32, #tpu.memory_space<vmem>> -> memref<4x200x64xf32, #tpu.memory_space<vmem>>
      %dma_wait3A_761 = arith.constant 0 : i32
      %dma_wait3A_762 = arith.constant 0 : i32
      %dma_wait3A_763 = arith.constant 0 : i32
      %dma_wait3A_764 = tpu.memref_slice %arg4[%dma_wait3A_761, %dma_wait3A_762, %dma_wait3A_763] : memref<4096x200x64xf32, #tpu.memory_space<hbm>> -> memref<4x200x64xf32, #tpu.memory_space<hbm>>
      tpu.wait_dma2 semaphore(%arg8 : memref<!tpu.dma_semaphore, #tpu.memory_space<semaphore_mem>>) src(%dma_wait3A_764 : memref<4x200x64xf32, #tpu.memory_space<hbm>>) dst(%dma_wait3A_760 : memref<4x200x64xf32, #tpu.memory_space<vmem>>)
      %mul3A_765 = arith.constant 4 : i32
      %mul3A_766 = arith.muli %add3A_745, %mul3A_765 : i32
      %add3A_767 = arith.addi %mul3A_2, %mul3A_766 : i32
      %dma_start3A_768 = arith.constant 1 : i32
      %dma_start3A_769 = arith.constant 0 : i32
      %dma_start3A_770 = arith.constant 0 : i32
      %dma_start3A_771 = arith.constant 0 : i32
      %dma_start3A_772 = tpu.memref_slice %arg6[%dma_start3A_768, %dma_start3A_769, %dma_start3A_770, %dma_start3A_771] : memref<2x4x200x64xf32, #tpu.memory_space<vmem>> -> memref<1x4x200x64xf32, #tpu.memory_space<vmem>>
      %dma_start3A_773 = tpu.memref_squeeze %dma_start3A_772 : memref<1x4x200x64xf32, #tpu.memory_space<vmem>> -> memref<4x200x64xf32, #tpu.memory_space<vmem>>
      %dma_start3A_774 = arith.constant 0 : i32
      %dma_start3A_775 = arith.constant 0 : i32
      %dma_start3A_776 = tpu.memref_slice %arg4[%add3A_767, %dma_start3A_774, %dma_start3A_775] : memref<4096x200x64xf32, #tpu.memory_space<hbm>> -> memref<4x200x64xf32, #tpu.memory_space<hbm>>
      %dma_start3A_777 = arith.constant 0 : i32
      %dma_start3A_778 = arith.constant 0 : i32
      %dma_start3A_779 = tpu.memref_slice %arg4[%add3A_767, %dma_start3A_777, %dma_start3A_778] : memref<4096x200x64xf32, #tpu.memory_space<hbm>> -> memref<4x200x64xf32, #tpu.memory_space<hbm>>
      %dma_start3A_780 = arith.constant 0 : i32
      %dma_start3A_781 = arith.constant 0 : i32
      %dma_start3A_782 = arith.constant 0 : i32
      %dma_start3A_783 = tpu.memref_slice %arg6[%dma_start3A_768, %dma_start3A_780, %dma_start3A_781, %dma_start3A_782] : memref<2x4x200x64xf32, #tpu.memory_space<vmem>> -> memref<1x4x200x64xf32, #tpu.memory_space<vmem>>
      %dma_start3A_784 = tpu.memref_squeeze %dma_start3A_783 : memref<1x4x200x64xf32, #tpu.memory_space<vmem>> -> memref<4x200x64xf32, #tpu.memory_space<vmem>>
      tpu.enqueue_dma source(%dma_start3A_784 : memref<4x200x64xf32, #tpu.memory_space<vmem>>) target(%dma_start3A_779 : memref<4x200x64xf32, #tpu.memory_space<hbm>>) target_semaphore(%arg10 : memref<!tpu.dma_semaphore, #tpu.memory_space<semaphore_mem>>)
      %add3A_785 = arith.constant 2 : i32
      %add3A_786 = arith.addi %add3A_745, %add3A_785 : i32
      %mul3A_787 = arith.constant 4 : i32
      %mul3A_788 = arith.muli %add3A_786, %mul3A_787 : i32
      %add3A_789 = arith.addi %mul3A_2, %mul3A_788 : i32
      %run_scoped3A_790 = arith.constant 1 : i32
      "tpu.region"() ({
        %run_scoped3A_993 = tpu.sem_alloc : memref<!tpu.dma_semaphore, #tpu.memory_space<semaphore_mem>>
        %dma_start3A_994 = arith.constant 0 : i32
        %dma_start3A_995 = arith.constant 0 : i32
        %dma_start3A_996 = tpu.memref_slice %arg5[%run_scoped3A_790, %dma_start3A_994, %dma_start3A_995] : memref<2x4x200xi32, #tpu.memory_space<vmem>> -> memref<1x4x200xi32, #tpu.memory_space<vmem>>
        %dma_start3A_997 = tpu.memref_squeeze %dma_start3A_996 : memref<1x4x200xi32, #tpu.memory_space<vmem>> -> memref<4x200xi32, #tpu.memory_space<vmem>>
        %dma_start3A_998 = arith.constant 0 : i32
        %dma_start3A_999 = tpu.memref_slice %arg2[%add3A_789, %dma_start3A_998] : memref<4096x200xi32, #tpu.memory_space<hbm>> -> memref<4x200xi32, #tpu.memory_space<hbm>>
        %dma_start3A_1000 = arith.constant 0 : i32
        %dma_start3A_1001 = arith.constant 0 : i32
        %dma_start3A_1002 = tpu.memref_slice %arg5[%run_scoped3A_790, %dma_start3A_1000, %dma_start3A_1001] : memref<2x4x200xi32, #tpu.memory_space<vmem>> -> memref<1x4x200xi32, #tpu.memory_space<vmem>>
        %dma_start3A_1003 = tpu.memref_squeeze %dma_start3A_1002 : memref<1x4x200xi32, #tpu.memory_space<vmem>> -> memref<4x200xi32, #tpu.memory_space<vmem>>
        %dma_start3A_1004 = arith.constant 0 : i32
        %dma_start3A_1005 = tpu.memref_slice %arg2[%add3A_789, %dma_start3A_1004] : memref<4096x200xi32, #tpu.memory_space<hbm>> -> memref<4x200xi32, #tpu.memory_space<hbm>>
        tpu.enqueue_dma source(%dma_start3A_1005 : memref<4x200xi32, #tpu.memory_space<hbm>>) target(%dma_start3A_1003 : memref<4x200xi32, #tpu.memory_space<vmem>>) target_semaphore(%run_scoped3A_993 : memref<!tpu.dma_semaphore, #tpu.memory_space<semaphore_mem>>)
        %dma_wait3A_1006 = arith.constant 0 : i32
        %dma_wait3A_1007 = arith.constant 0 : i32
        %dma_wait3A_1008 = tpu.memref_slice %arg5[%run_scoped3A_790, %dma_wait3A_1006, %dma_wait3A_1007] : memref<2x4x200xi32, #tpu.memory_space<vmem>> -> memref<1x4x200xi32, #tpu.memory_space<vmem>>
        %dma_wait3A_1009 = tpu.memref_squeeze %dma_wait3A_1008 : memref<1x4x200xi32, #tpu.memory_space<vmem>> -> memref<4x200xi32, #tpu.memory_space<vmem>>
        %dma_wait3A_1010 = arith.constant 0 : i32
        %dma_wait3A_1011 = tpu.memref_slice %arg2[%add3A_789, %dma_wait3A_1010] : memref<4096x200xi32, #tpu.memory_space<hbm>> -> memref<4x200xi32, #tpu.memory_space<hbm>>
        %dma_wait3A_1012 = arith.constant 0 : i32
        %dma_wait3A_1013 = arith.constant 0 : i32
        %dma_wait3A_1014 = tpu.memref_slice %arg5[%run_scoped3A_790, %dma_wait3A_1012, %dma_wait3A_1013] : memref<2x4x200xi32, #tpu.memory_space<vmem>> -> memref<1x4x200xi32, #tpu.memory_space<vmem>>
        %dma_wait3A_1015 = tpu.memref_squeeze %dma_wait3A_1014 : memref<1x4x200xi32, #tpu.memory_space<vmem>> -> memref<4x200xi32, #tpu.memory_space<vmem>>
        %dma_wait3A_1016 = arith.constant 0 : i32
        %dma_wait3A_1017 = tpu.memref_slice %arg2[%add3A_789, %dma_wait3A_1016] : memref<4096x200xi32, #tpu.memory_space<hbm>> -> memref<4x200xi32, #tpu.memory_space<hbm>>
        tpu.wait_dma2 semaphore(%run_scoped3A_993 : memref<!tpu.dma_semaphore, #tpu.memory_space<semaphore_mem>>) src(%dma_wait3A_1017 : memref<4x200xi32, #tpu.memory_space<hbm>>) dst(%dma_wait3A_1015 : memref<4x200xi32, #tpu.memory_space<vmem>>)
        tpu.yield
      }) : () -> ()
      %dma_wait3A_791 = arith.constant 1 : i32
      %dma_wait3A_792 = arith.constant 0 : i32
      %dma_wait3A_793 = arith.constant 0 : i32
      %dma_wait3A_794 = arith.constant 0 : i32
      %dma_wait3A_795 = tpu.memref_slice %arg6[%dma_wait3A_791, %dma_wait3A_792, %dma_wait3A_793, %dma_wait3A_794] : memref<2x4x200x64xf32, #tpu.memory_space<vmem>> -> memref<1x4x200x64xf32, #tpu.memory_space<vmem>>
      %dma_wait3A_796 = tpu.memref_squeeze %dma_wait3A_795 : memref<1x4x200x64xf32, #tpu.memory_space<vmem>> -> memref<4x200x64xf32, #tpu.memory_space<vmem>>
      %dma_wait3A_797 = arith.constant 0 : i32
      %dma_wait3A_798 = arith.constant 0 : i32
      %dma_wait3A_799 = tpu.memref_slice %arg4[%add3A_767, %dma_wait3A_797, %dma_wait3A_798] : memref<4096x200x64xf32, #tpu.memory_space<hbm>> -> memref<4x200x64xf32, #tpu.memory_space<hbm>>
      %dma_wait3A_800 = arith.constant 0 : i32
      %dma_wait3A_801 = arith.constant 0 : i32
      %dma_wait3A_802 = tpu.memref_slice %arg4[%add3A_767, %dma_wait3A_800, %dma_wait3A_801] : memref<4096x200x64xf32, #tpu.memory_space<hbm>> -> memref<4x200x64xf32, #tpu.memory_space<hbm>>
      %dma_wait3A_803 = arith.constant 0 : i32
      %dma_wait3A_804 = arith.constant 0 : i32
      %dma_wait3A_805 = arith.constant 0 : i32
      %dma_wait3A_806 = tpu.memref_slice %arg6[%dma_wait3A_791, %dma_wait3A_803, %dma_wait3A_804, %dma_wait3A_805] : memref<2x4x200x64xf32, #tpu.memory_space<vmem>> -> memref<1x4x200x64xf32, #tpu.memory_space<vmem>>
      %dma_wait3A_807 = tpu.memref_squeeze %dma_wait3A_806 : memref<1x4x200x64xf32, #tpu.memory_space<vmem>> -> memref<4x200x64xf32, #tpu.memory_space<vmem>>
      tpu.wait_dma2 semaphore(%arg10 : memref<!tpu.dma_semaphore, #tpu.memory_space<semaphore_mem>>) src(%dma_wait3A_807 : memref<4x200x64xf32, #tpu.memory_space<vmem>>) dst(%dma_wait3A_802 : memref<4x200x64xf32, #tpu.memory_space<hbm>>)
      %dma_start3A_808 = arith.constant 1 : i32
      %dma_start3A_809 = arith.constant 0 : i32
      %dma_start3A_810 = arith.constant 1 : i32
      %dma_start3A_811 = arith.constant 0 : i32
      %dma_start3A_812 = arith.constant 0 : i32
      %dma_start3A_813 = arith.constant 0 : i32
      %dma_start3A_814 = arith.constant 0 : i32
      %dma_start3A_815 = tpu.memref_slice %arg6[%dma_start3A_810, %dma_start3A_812, %dma_start3A_813, %dma_start3A_814] : memref<2x4x200x64xf32, #tpu.memory_space<vmem>> -> memref<1x4x200x64xf32, #tpu.memory_space<vmem>>
      %dma_start3A_816 = tpu.memref_squeeze %dma_start3A_815 : memref<1x4x200x64xf32, #tpu.memory_space<vmem>> -> memref<4x200x64xf32, #tpu.memory_space<vmem>>
      %dma_start3A_817 = arith.constant 0 : i32
      %dma_start3A_818 = arith.constant 0 : i32
      %dma_start3A_819 = tpu.memref_slice %dma_start3A_816[%dma_start3A_811, %dma_start3A_817, %dma_start3A_818] : memref<4x200x64xf32, #tpu.memory_space<vmem>> -> memref<1x128x64xf32, #tpu.memory_space<vmem>>
      %dma_start3A_820 = tpu.memref_squeeze %dma_start3A_819 : memref<1x128x64xf32, #tpu.memory_space<vmem>> -> memref<128x64xf32, #tpu.memory_space<vmem>>
      %dma_start3A_821 = arith.constant 0 : i32
      %dma_start3A_822 = arith.constant 0 : i32
      %dma_start3A_823 = tpu.memref_slice %arg5[%dma_start3A_808, %dma_start3A_821, %dma_start3A_822] : memref<2x4x200xi32, #tpu.memory_space<vmem>> -> memref<1x4x200xi32, #tpu.memory_space<vmem>>
      %dma_start3A_824 = tpu.memref_squeeze %dma_start3A_823 : memref<1x4x200xi32, #tpu.memory_space<vmem>> -> memref<4x200xi32, #tpu.memory_space<vmem>>
      %dma_start3A_825 = arith.constant 0 : i32
      %dma_start3A_826 = tpu.memref_slice %dma_start3A_824[%dma_start3A_809, %dma_start3A_825] : memref<4x200xi32, #tpu.memory_space<vmem>> -> memref<1x128xi32, #tpu.memory_space<vmem>>
      %dma_start3A_827 = tpu.memref_squeeze %dma_start3A_826 : memref<1x128xi32, #tpu.memory_space<vmem>> -> memref<128xi32, #tpu.memory_space<vmem>>
      %dma_start3A_828 = arith.constant 0 : i32
      %dma_start3A_829 = arith.constant 0 : i32
      %dma_start3A_830 = tpu.memref_slice %arg3[%dma_start3A_828, %dma_start3A_829] : memref<1000000x64xf32, #tpu.memory_space<hbm>> -> memref<1000000x64xf32, #tpu.memory_space<hbm>>
      tpu.enqueue_indirect_dma source(%dma_start3A_830 : memref<1000000x64xf32, #tpu.memory_space<hbm>>) target(%dma_start3A_820 : memref<128x64xf32, #tpu.memory_space<vmem>>) offsets(%dma_start3A_827 : memref<128xi32, #tpu.memory_space<vmem>>) semaphore(%arg8 : memref<!tpu.dma_semaphore, #tpu.memory_space<semaphore_mem>>)
      %dma_start3A_831 = arith.constant 1 : i32
      %dma_start3A_832 = arith.constant 0 : i32
      %dma_start3A_833 = arith.constant 1 : i32
      %dma_start3A_834 = arith.constant 0 : i32
      %dma_start3A_835 = arith.constant 0 : i32
      %dma_start3A_836 = arith.constant 0 : i32
      %dma_start3A_837 = arith.constant 0 : i32
      %dma_start3A_838 = tpu.memref_slice %arg6[%dma_start3A_833, %dma_start3A_835, %dma_start3A_836, %dma_start3A_837] : memref<2x4x200x64xf32, #tpu.memory_space<vmem>> -> memref<1x4x200x64xf32, #tpu.memory_space<vmem>>
      %dma_start3A_839 = tpu.memref_squeeze %dma_start3A_838 : memref<1x4x200x64xf32, #tpu.memory_space<vmem>> -> memref<4x200x64xf32, #tpu.memory_space<vmem>>
      %dma_start3A_840 = arith.constant 128 : i32
      %dma_start3A_841 = arith.constant 0 : i32
      %dma_start3A_842 = tpu.memref_slice %dma_start3A_839[%dma_start3A_834, %dma_start3A_840, %dma_start3A_841] : memref<4x200x64xf32, #tpu.memory_space<vmem>> -> memref<1x72x64xf32, #tpu.memory_space<vmem>>
      %dma_start3A_843 = tpu.memref_squeeze %dma_start3A_842 : memref<1x72x64xf32, #tpu.memory_space<vmem>> -> memref<72x64xf32, #tpu.memory_space<vmem>>
      %dma_start3A_844 = arith.constant 0 : i32
      %dma_start3A_845 = arith.constant 0 : i32
      %dma_start3A_846 = tpu.memref_slice %arg5[%dma_start3A_831, %dma_start3A_844, %dma_start3A_845] : memref<2x4x200xi32, #tpu.memory_space<vmem>> -> memref<1x4x200xi32, #tpu.memory_space<vmem>>
      %dma_start3A_847 = tpu.memref_squeeze %dma_start3A_846 : memref<1x4x200xi32, #tpu.memory_space<vmem>> -> memref<4x200xi32, #tpu.memory_space<vmem>>
      %dma_start3A_848 = arith.constant 128 : i32
      %dma_start3A_849 = tpu.memref_slice %dma_start3A_847[%dma_start3A_832, %dma_start3A_848] : memref<4x200xi32, #tpu.memory_space<vmem>> -> memref<1x72xi32, #tpu.memory_space<vmem>>
      %dma_start3A_850 = tpu.memref_squeeze %dma_start3A_849 : memref<1x72xi32, #tpu.memory_space<vmem>> -> memref<72xi32, #tpu.memory_space<vmem>>
      %dma_start3A_851 = arith.constant 0 : i32
      %dma_start3A_852 = arith.constant 0 : i32
      %dma_start3A_853 = tpu.memref_slice %arg3[%dma_start3A_851, %dma_start3A_852] : memref<1000000x64xf32, #tpu.memory_space<hbm>> -> memref<1000000x64xf32, #tpu.memory_space<hbm>>
      tpu.enqueue_indirect_dma source(%dma_start3A_853 : memref<1000000x64xf32, #tpu.memory_space<hbm>>) target(%dma_start3A_843 : memref<72x64xf32, #tpu.memory_space<vmem>>) offsets(%dma_start3A_850 : memref<72xi32, #tpu.memory_space<vmem>>) semaphore(%arg8 : memref<!tpu.dma_semaphore, #tpu.memory_space<semaphore_mem>>)
      %dma_start3A_854 = arith.constant 1 : i32
      %dma_start3A_855 = arith.constant 1 : i32
      %dma_start3A_856 = arith.constant 1 : i32
      %dma_start3A_857 = arith.constant 1 : i32
      %dma_start3A_858 = arith.constant 0 : i32
      %dma_start3A_859 = arith.constant 0 : i32
      %dma_start3A_860 = arith.constant 0 : i32
      %dma_start3A_861 = tpu.memref_slice %arg6[%dma_start3A_856, %dma_start3A_858, %dma_start3A_859, %dma_start3A_860] : memref<2x4x200x64xf32, #tpu.memory_space<vmem>> -> memref<1x4x200x64xf32, #tpu.memory_space<vmem>>
      %dma_start3A_862 = tpu.memref_squeeze %dma_start3A_861 : memref<1x4x200x64xf32, #tpu.memory_space<vmem>> -> memref<4x200x64xf32, #tpu.memory_space<vmem>>
      %dma_start3A_863 = arith.constant 0 : i32
      %dma_start3A_864 = arith.constant 0 : i32
      %dma_start3A_865 = tpu.memref_slice %dma_start3A_862[%dma_start3A_857, %dma_start3A_863, %dma_start3A_864] : memref<4x200x64xf32, #tpu.memory_space<vmem>> -> memref<1x128x64xf32, #tpu.memory_space<vmem>>
      %dma_start3A_866 = tpu.memref_squeeze %dma_start3A_865 : memref<1x128x64xf32, #tpu.memory_space<vmem>> -> memref<128x64xf32, #tpu.memory_space<vmem>>
      %dma_start3A_867 = arith.constant 0 : i32
      %dma_start3A_868 = arith.constant 0 : i32
      %dma_start3A_869 = tpu.memref_slice %arg5[%dma_start3A_854, %dma_start3A_867, %dma_start3A_868] : memref<2x4x200xi32, #tpu.memory_space<vmem>> -> memref<1x4x200xi32, #tpu.memory_space<vmem>>
      %dma_start3A_870 = tpu.memref_squeeze %dma_start3A_869 : memref<1x4x200xi32, #tpu.memory_space<vmem>> -> memref<4x200xi32, #tpu.memory_space<vmem>>
      %dma_start3A_871 = arith.constant 0 : i32
      %dma_start3A_872 = tpu.memref_slice %dma_start3A_870[%dma_start3A_855, %dma_start3A_871] : memref<4x200xi32, #tpu.memory_space<vmem>> -> memref<1x128xi32, #tpu.memory_space<vmem>>
      %dma_start3A_873 = tpu.memref_squeeze %dma_start3A_872 : memref<1x128xi32, #tpu.memory_space<vmem>> -> memref<128xi32, #tpu.memory_space<vmem>>
      %dma_start3A_874 = arith.constant 0 : i32
      %dma_start3A_875 = arith.constant 0 : i32
      %dma_start3A_876 = tpu.memref_slice %arg3[%dma_start3A_874, %dma_start3A_875] : memref<1000000x64xf32, #tpu.memory_space<hbm>> -> memref<1000000x64xf32, #tpu.memory_space<hbm>>
      tpu.enqueue_indirect_dma source(%dma_start3A_876 : memref<1000000x64xf32, #tpu.memory_space<hbm>>) target(%dma_start3A_866 : memref<128x64xf32, #tpu.memory_space<vmem>>) offsets(%dma_start3A_873 : memref<128xi32, #tpu.memory_space<vmem>>) semaphore(%arg8 : memref<!tpu.dma_semaphore, #tpu.memory_space<semaphore_mem>>)
      %dma_start3A_877 = arith.constant 1 : i32
      %dma_start3A_878 = arith.constant 1 : i32
      %dma_start3A_879 = arith.constant 1 : i32
      %dma_start3A_880 = arith.constant 1 : i32
      %dma_start3A_881 = arith.constant 0 : i32
      %dma_start3A_882 = arith.constant 0 : i32
      %dma_start3A_883 = arith.constant 0 : i32
      %dma_start3A_884 = tpu.memref_slice %arg6[%dma_start3A_879, %dma_start3A_881, %dma_start3A_882, %dma_start3A_883] : memref<2x4x200x64xf32, #tpu.memory_space<vmem>> -> memref<1x4x200x64xf32, #tpu.memory_space<vmem>>
      %dma_start3A_885 = tpu.memref_squeeze %dma_start3A_884 : memref<1x4x200x64xf32, #tpu.memory_space<vmem>> -> memref<4x200x64xf32, #tpu.memory_space<vmem>>
      %dma_start3A_886 = arith.constant 128 : i32
      %dma_start3A_887 = arith.constant 0 : i32
      %dma_start3A_888 = tpu.memref_slice %dma_start3A_885[%dma_start3A_880, %dma_start3A_886, %dma_start3A_887] : memref<4x200x64xf32, #tpu.memory_space<vmem>> -> memref<1x72x64xf32, #tpu.memory_space<vmem>>
      %dma_start3A_889 = tpu.memref_squeeze %dma_start3A_888 : memref<1x72x64xf32, #tpu.memory_space<vmem>> -> memref<72x64xf32, #tpu.memory_space<vmem>>
      %dma_start3A_890 = arith.constant 0 : i32
      %dma_start3A_891 = arith.constant 0 : i32
      %dma_start3A_892 = tpu.memref_slice %arg5[%dma_start3A_877, %dma_start3A_890, %dma_start3A_891] : memref<2x4x200xi32, #tpu.memory_space<vmem>> -> memref<1x4x200xi32, #tpu.memory_space<vmem>>
      %dma_start3A_893 = tpu.memref_squeeze %dma_start3A_892 : memref<1x4x200xi32, #tpu.memory_space<vmem>> -> memref<4x200xi32, #tpu.memory_space<vmem>>
      %dma_start3A_894 = arith.constant 128 : i32
      %dma_start3A_895 = tpu.memref_slice %dma_start3A_893[%dma_start3A_878, %dma_start3A_894] : memref<4x200xi32, #tpu.memory_space<vmem>> -> memref<1x72xi32, #tpu.memory_space<vmem>>
      %dma_start3A_896 = tpu.memref_squeeze %dma_start3A_895 : memref<1x72xi32, #tpu.memory_space<vmem>> -> memref<72xi32, #tpu.memory_space<vmem>>
      %dma_start3A_897 = arith.constant 0 : i32
      %dma_start3A_898 = arith.constant 0 : i32
      %dma_start3A_899 = tpu.memref_slice %arg3[%dma_start3A_897, %dma_start3A_898] : memref<1000000x64xf32, #tpu.memory_space<hbm>> -> memref<1000000x64xf32, #tpu.memory_space<hbm>>
      tpu.enqueue_indirect_dma source(%dma_start3A_899 : memref<1000000x64xf32, #tpu.memory_space<hbm>>) target(%dma_start3A_889 : memref<72x64xf32, #tpu.memory_space<vmem>>) offsets(%dma_start3A_896 : memref<72xi32, #tpu.memory_space<vmem>>) semaphore(%arg8 : memref<!tpu.dma_semaphore, #tpu.memory_space<semaphore_mem>>)
      %dma_start3A_900 = arith.constant 1 : i32
      %dma_start3A_901 = arith.constant 2 : i32
      %dma_start3A_902 = arith.constant 1 : i32
      %dma_start3A_903 = arith.constant 2 : i32
      %dma_start3A_904 = arith.constant 0 : i32
      %dma_start3A_905 = arith.constant 0 : i32
      %dma_start3A_906 = arith.constant 0 : i32
      %dma_start3A_907 = tpu.memref_slice %arg6[%dma_start3A_902, %dma_start3A_904, %dma_start3A_905, %dma_start3A_906] : memref<2x4x200x64xf32, #tpu.memory_space<vmem>> -> memref<1x4x200x64xf32, #tpu.memory_space<vmem>>
      %dma_start3A_908 = tpu.memref_squeeze %dma_start3A_907 : memref<1x4x200x64xf32, #tpu.memory_space<vmem>> -> memref<4x200x64xf32, #tpu.memory_space<vmem>>
      %dma_start3A_909 = arith.constant 0 : i32
      %dma_start3A_910 = arith.constant 0 : i32
      %dma_start3A_911 = tpu.memref_slice %dma_start3A_908[%dma_start3A_903, %dma_start3A_909, %dma_start3A_910] : memref<4x200x64xf32, #tpu.memory_space<vmem>> -> memref<1x128x64xf32, #tpu.memory_space<vmem>>
      %dma_start3A_912 = tpu.memref_squeeze %dma_start3A_911 : memref<1x128x64xf32, #tpu.memory_space<vmem>> -> memref<128x64xf32, #tpu.memory_space<vmem>>
      %dma_start3A_913 = arith.constant 0 : i32
      %dma_start3A_914 = arith.constant 0 : i32
      %dma_start3A_915 = tpu.memref_slice %arg5[%dma_start3A_900, %dma_start3A_913, %dma_start3A_914] : memref<2x4x200xi32, #tpu.memory_space<vmem>> -> memref<1x4x200xi32, #tpu.memory_space<vmem>>
      %dma_start3A_916 = tpu.memref_squeeze %dma_start3A_915 : memref<1x4x200xi32, #tpu.memory_space<vmem>> -> memref<4x200xi32, #tpu.memory_space<vmem>>
      %dma_start3A_917 = arith.constant 0 : i32
      %dma_start3A_918 = tpu.memref_slice %dma_start3A_916[%dma_start3A_901, %dma_start3A_917] : memref<4x200xi32, #tpu.memory_space<vmem>> -> memref<1x128xi32, #tpu.memory_space<vmem>>
      %dma_start3A_919 = tpu.memref_squeeze %dma_start3A_918 : memref<1x128xi32, #tpu.memory_space<vmem>> -> memref<128xi32, #tpu.memory_space<vmem>>
      %dma_start3A_920 = arith.constant 0 : i32
      %dma_start3A_921 = arith.constant 0 : i32
      %dma_start3A_922 = tpu.memref_slice %arg3[%dma_start3A_920, %dma_start3A_921] : memref<1000000x64xf32, #tpu.memory_space<hbm>> -> memref<1000000x64xf32, #tpu.memory_space<hbm>>
      tpu.enqueue_indirect_dma source(%dma_start3A_922 : memref<1000000x64xf32, #tpu.memory_space<hbm>>) target(%dma_start3A_912 : memref<128x64xf32, #tpu.memory_space<vmem>>) offsets(%dma_start3A_919 : memref<128xi32, #tpu.memory_space<vmem>>) semaphore(%arg8 : memref<!tpu.dma_semaphore, #tpu.memory_space<semaphore_mem>>)
      %dma_start3A_923 = arith.constant 1 : i32
      %dma_start3A_924 = arith.constant 2 : i32
      %dma_start3A_925 = arith.constant 1 : i32
      %dma_start3A_926 = arith.constant 2 : i32
      %dma_start3A_927 = arith.constant 0 : i32
      %dma_start3A_928 = arith.constant 0 : i32
      %dma_start3A_929 = arith.constant 0 : i32
      %dma_start3A_930 = tpu.memref_slice %arg6[%dma_start3A_925, %dma_start3A_927, %dma_start3A_928, %dma_start3A_929] : memref<2x4x200x64xf32, #tpu.memory_space<vmem>> -> memref<1x4x200x64xf32, #tpu.memory_space<vmem>>
      %dma_start3A_931 = tpu.memref_squeeze %dma_start3A_930 : memref<1x4x200x64xf32, #tpu.memory_space<vmem>> -> memref<4x200x64xf32, #tpu.memory_space<vmem>>
      %dma_start3A_932 = arith.constant 128 : i32
      %dma_start3A_933 = arith.constant 0 : i32
      %dma_start3A_934 = tpu.memref_slice %dma_start3A_931[%dma_start3A_926, %dma_start3A_932, %dma_start3A_933] : memref<4x200x64xf32, #tpu.memory_space<vmem>> -> memref<1x72x64xf32, #tpu.memory_space<vmem>>
      %dma_start3A_935 = tpu.memref_squeeze %dma_start3A_934 : memref<1x72x64xf32, #tpu.memory_space<vmem>> -> memref<72x64xf32, #tpu.memory_space<vmem>>
      %dma_start3A_936 = arith.constant 0 : i32
      %dma_start3A_937 = arith.constant 0 : i32
      %dma_start3A_938 = tpu.memref_slice %arg5[%dma_start3A_923, %dma_start3A_936, %dma_start3A_937] : memref<2x4x200xi32, #tpu.memory_space<vmem>> -> memref<1x4x200xi32, #tpu.memory_space<vmem>>
      %dma_start3A_939 = tpu.memref_squeeze %dma_start3A_938 : memref<1x4x200xi32, #tpu.memory_space<vmem>> -> memref<4x200xi32, #tpu.memory_space<vmem>>
      %dma_start3A_940 = arith.constant 128 : i32
      %dma_start3A_941 = tpu.memref_slice %dma_start3A_939[%dma_start3A_924, %dma_start3A_940] : memref<4x200xi32, #tpu.memory_space<vmem>> -> memref<1x72xi32, #tpu.memory_space<vmem>>
      %dma_start3A_942 = tpu.memref_squeeze %dma_start3A_941 : memref<1x72xi32, #tpu.memory_space<vmem>> -> memref<72xi32, #tpu.memory_space<vmem>>
      %dma_start3A_943 = arith.constant 0 : i32
      %dma_start3A_944 = arith.constant 0 : i32
      %dma_start3A_945 = tpu.memref_slice %arg3[%dma_start3A_943, %dma_start3A_944] : memref<1000000x64xf32, #tpu.memory_space<hbm>> -> memref<1000000x64xf32, #tpu.memory_space<hbm>>
      tpu.enqueue_indirect_dma source(%dma_start3A_945 : memref<1000000x64xf32, #tpu.memory_space<hbm>>) target(%dma_start3A_935 : memref<72x64xf32, #tpu.memory_space<vmem>>) offsets(%dma_start3A_942 : memref<72xi32, #tpu.memory_space<vmem>>) semaphore(%arg8 : memref<!tpu.dma_semaphore, #tpu.memory_space<semaphore_mem>>)
      %dma_start3A_946 = arith.constant 1 : i32
      %dma_start3A_947 = arith.constant 3 : i32
      %dma_start3A_948 = arith.constant 1 : i32
      %dma_start3A_949 = arith.constant 3 : i32
      %dma_start3A_950 = arith.constant 0 : i32
      %dma_start3A_951 = arith.constant 0 : i32
      %dma_start3A_952 = arith.constant 0 : i32
      %dma_start3A_953 = tpu.memref_slice %arg6[%dma_start3A_948, %dma_start3A_950, %dma_start3A_951, %dma_start3A_952] : memref<2x4x200x64xf32, #tpu.memory_space<vmem>> -> memref<1x4x200x64xf32, #tpu.memory_space<vmem>>
      %dma_start3A_954 = tpu.memref_squeeze %dma_start3A_953 : memref<1x4x200x64xf32, #tpu.memory_space<vmem>> -> memref<4x200x64xf32, #tpu.memory_space<vmem>>
      %dma_start3A_955 = arith.constant 0 : i32
      %dma_start3A_956 = arith.constant 0 : i32
      %dma_start3A_957 = tpu.memref_slice %dma_start3A_954[%dma_start3A_949, %dma_start3A_955, %dma_start3A_956] : memref<4x200x64xf32, #tpu.memory_space<vmem>> -> memref<1x128x64xf32, #tpu.memory_space<vmem>>
      %dma_start3A_958 = tpu.memref_squeeze %dma_start3A_957 : memref<1x128x64xf32, #tpu.memory_space<vmem>> -> memref<128x64xf32, #tpu.memory_space<vmem>>
      %dma_start3A_959 = arith.constant 0 : i32
      %dma_start3A_960 = arith.constant 0 : i32
      %dma_start3A_961 = tpu.memref_slice %arg5[%dma_start3A_946, %dma_start3A_959, %dma_start3A_960] : memref<2x4x200xi32, #tpu.memory_space<vmem>> -> memref<1x4x200xi32, #tpu.memory_space<vmem>>
      %dma_start3A_962 = tpu.memref_squeeze %dma_start3A_961 : memref<1x4x200xi32, #tpu.memory_space<vmem>> -> memref<4x200xi32, #tpu.memory_space<vmem>>
      %dma_start3A_963 = arith.constant 0 : i32
      %dma_start3A_964 = tpu.memref_slice %dma_start3A_962[%dma_start3A_947, %dma_start3A_963] : memref<4x200xi32, #tpu.memory_space<vmem>> -> memref<1x128xi32, #tpu.memory_space<vmem>>
      %dma_start3A_965 = tpu.memref_squeeze %dma_start3A_964 : memref<1x128xi32, #tpu.memory_space<vmem>> -> memref<128xi32, #tpu.memory_space<vmem>>
      %dma_start3A_966 = arith.constant 0 : i32
      %dma_start3A_967 = arith.constant 0 : i32
      %dma_start3A_968 = tpu.memref_slice %arg3[%dma_start3A_966, %dma_start3A_967] : memref<1000000x64xf32, #tpu.memory_space<hbm>> -> memref<1000000x64xf32, #tpu.memory_space<hbm>>
      tpu.enqueue_indirect_dma source(%dma_start3A_968 : memref<1000000x64xf32, #tpu.memory_space<hbm>>) target(%dma_start3A_958 : memref<128x64xf32, #tpu.memory_space<vmem>>) offsets(%dma_start3A_965 : memref<128xi32, #tpu.memory_space<vmem>>) semaphore(%arg8 : memref<!tpu.dma_semaphore, #tpu.memory_space<semaphore_mem>>)
      %dma_start3A_969 = arith.constant 1 : i32
      %dma_start3A_970 = arith.constant 3 : i32
      %dma_start3A_971 = arith.constant 1 : i32
      %dma_start3A_972 = arith.constant 3 : i32
      %dma_start3A_973 = arith.constant 0 : i32
      %dma_start3A_974 = arith.constant 0 : i32
      %dma_start3A_975 = arith.constant 0 : i32
      %dma_start3A_976 = tpu.memref_slice %arg6[%dma_start3A_971, %dma_start3A_973, %dma_start3A_974, %dma_start3A_975] : memref<2x4x200x64xf32, #tpu.memory_space<vmem>> -> memref<1x4x200x64xf32, #tpu.memory_space<vmem>>
      %dma_start3A_977 = tpu.memref_squeeze %dma_start3A_976 : memref<1x4x200x64xf32, #tpu.memory_space<vmem>> -> memref<4x200x64xf32, #tpu.memory_space<vmem>>
      %dma_start3A_978 = arith.constant 128 : i32
      %dma_start3A_979 = arith.constant 0 : i32
      %dma_start3A_980 = tpu.memref_slice %dma_start3A_977[%dma_start3A_972, %dma_start3A_978, %dma_start3A_979] : memref<4x200x64xf32, #tpu.memory_space<vmem>> -> memref<1x72x64xf32, #tpu.memory_space<vmem>>
      %dma_start3A_981 = tpu.memref_squeeze %dma_start3A_980 : memref<1x72x64xf32, #tpu.memory_space<vmem>> -> memref<72x64xf32, #tpu.memory_space<vmem>>
      %dma_start3A_982 = arith.constant 0 : i32
      %dma_start3A_983 = arith.constant 0 : i32
      %dma_start3A_984 = tpu.memref_slice %arg5[%dma_start3A_969, %dma_start3A_982, %dma_start3A_983] : memref<2x4x200xi32, #tpu.memory_space<vmem>> -> memref<1x4x200xi32, #tpu.memory_space<vmem>>
      %dma_start3A_985 = tpu.memref_squeeze %dma_start3A_984 : memref<1x4x200xi32, #tpu.memory_space<vmem>> -> memref<4x200xi32, #tpu.memory_space<vmem>>
      %dma_start3A_986 = arith.constant 128 : i32
      %dma_start3A_987 = tpu.memref_slice %dma_start3A_985[%dma_start3A_970, %dma_start3A_986] : memref<4x200xi32, #tpu.memory_space<vmem>> -> memref<1x72xi32, #tpu.memory_space<vmem>>
      %dma_start3A_988 = tpu.memref_squeeze %dma_start3A_987 : memref<1x72xi32, #tpu.memory_space<vmem>> -> memref<72xi32, #tpu.memory_space<vmem>>
      %dma_start3A_989 = arith.constant 0 : i32
      %dma_start3A_990 = arith.constant 0 : i32
      %dma_start3A_991 = tpu.memref_slice %arg3[%dma_start3A_989, %dma_start3A_990] : memref<1000000x64xf32, #tpu.memory_space<hbm>> -> memref<1000000x64xf32, #tpu.memory_space<hbm>>
      tpu.enqueue_indirect_dma source(%dma_start3A_991 : memref<1000000x64xf32, #tpu.memory_space<hbm>>) target(%dma_start3A_981 : memref<72x64xf32, #tpu.memory_space<vmem>>) offsets(%dma_start3A_988 : memref<72xi32, #tpu.memory_space<vmem>>) semaphore(%arg8 : memref<!tpu.dma_semaphore, #tpu.memory_space<semaphore_mem>>)
      %scan3A_992 = arith.constant 0 : i32
      scf.yield %scan3A_992 : i32
    }
    %scan3A_380 = arith.constant 15 : i32
    %dma_wait3A = arith.constant 0 : i32
    %dma_wait3A_381 = arith.constant 0 : i32
    %dma_wait3A_382 = arith.constant 0 : i32
    %dma_wait3A_383 = arith.constant 0 : i32
    %dma_wait3A_384 = tpu.memref_slice %arg6[%dma_wait3A, %dma_wait3A_381, %dma_wait3A_382, %dma_wait3A_383] : memref<2x4x200x64xf32, #tpu.memory_space<vmem>> -> memref<1x4x200x64xf32, #tpu.memory_space<vmem>>
    %dma_wait3A_385 = tpu.memref_squeeze %dma_wait3A_384 : memref<1x4x200x64xf32, #tpu.memory_space<vmem>> -> memref<4x200x64xf32, #tpu.memory_space<vmem>>
    %dma_wait3A_386 = arith.constant 0 : i32
    %dma_wait3A_387 = arith.constant 0 : i32
    %dma_wait3A_388 = arith.constant 0 : i32
    %dma_wait3A_389 = tpu.memref_slice %arg4[%dma_wait3A_386, %dma_wait3A_387, %dma_wait3A_388] : memref<4096x200x64xf32, #tpu.memory_space<hbm>> -> memref<4x200x64xf32, #tpu.memory_space<hbm>>
    %dma_wait3A_390 = arith.constant 0 : i32
    %dma_wait3A_391 = arith.constant 0 : i32
    %dma_wait3A_392 = arith.constant 0 : i32
    %dma_wait3A_393 = tpu.memref_slice %arg6[%dma_wait3A, %dma_wait3A_390, %dma_wait3A_391, %dma_wait3A_392] : memref<2x4x200x64xf32, #tpu.memory_space<vmem>> -> memref<1x4x200x64xf32, #tpu.memory_space<vmem>>
    %dma_wait3A_394 = tpu.memref_squeeze %dma_wait3A_393 : memref<1x4x200x64xf32, #tpu.memory_space<vmem>> -> memref<4x200x64xf32, #tpu.memory_space<vmem>>
    %dma_wait3A_395 = arith.constant 0 : i32
    %dma_wait3A_396 = arith.constant 0 : i32
    %dma_wait3A_397 = arith.constant 0 : i32
    %dma_wait3A_398 = tpu.memref_slice %arg4[%dma_wait3A_395, %dma_wait3A_396, %dma_wait3A_397] : memref<4096x200x64xf32, #tpu.memory_space<hbm>> -> memref<4x200x64xf32, #tpu.memory_space<hbm>>
    tpu.wait_dma2 semaphore(%arg7 : memref<!tpu.dma_semaphore, #tpu.memory_space<semaphore_mem>>) src(%dma_wait3A_398 : memref<4x200x64xf32, #tpu.memory_space<hbm>>) dst(%dma_wait3A_394 : memref<4x200x64xf32, #tpu.memory_space<vmem>>)
    %add3A_399 = arith.constant 120 : i32
    %add3A_400 = arith.addi %mul3A_2, %add3A_399 : i32
    %dma_start3A_401 = arith.constant 0 : i32
    %dma_start3A_402 = arith.constant 0 : i32
    %dma_start3A_403 = arith.constant 0 : i32
    %dma_start3A_404 = arith.constant 0 : i32
    %dma_start3A_405 = tpu.memref_slice %arg6[%dma_start3A_401, %dma_start3A_402, %dma_start3A_403, %dma_start3A_404] : memref<2x4x200x64xf32, #tpu.memory_space<vmem>> -> memref<1x4x200x64xf32, #tpu.memory_space<vmem>>
    %dma_start3A_406 = tpu.memref_squeeze %dma_start3A_405 : memref<1x4x200x64xf32, #tpu.memory_space<vmem>> -> memref<4x200x64xf32, #tpu.memory_space<vmem>>
    %dma_start3A_407 = arith.constant 0 : i32
    %dma_start3A_408 = arith.constant 0 : i32
    %dma_start3A_409 = tpu.memref_slice %arg4[%add3A_400, %dma_start3A_407, %dma_start3A_408] : memref<4096x200x64xf32, #tpu.memory_space<hbm>> -> memref<4x200x64xf32, #tpu.memory_space<hbm>>
    %dma_start3A_410 = arith.constant 0 : i32
    %dma_start3A_411 = arith.constant 0 : i32
    %dma_start3A_412 = tpu.memref_slice %arg4[%add3A_400, %dma_start3A_410, %dma_start3A_411] : memref<4096x200x64xf32, #tpu.memory_space<hbm>> -> memref<4x200x64xf32, #tpu.memory_space<hbm>>
    %dma_start3A_413 = arith.constant 0 : i32
    %dma_start3A_414 = arith.constant 0 : i32
    %dma_start3A_415 = arith.constant 0 : i32
    %dma_start3A_416 = tpu.memref_slice %arg6[%dma_start3A_401, %dma_start3A_413, %dma_start3A_414, %dma_start3A_415] : memref<2x4x200x64xf32, #tpu.memory_space<vmem>> -> memref<1x4x200x64xf32, #tpu.memory_space<vmem>>
    %dma_start3A_417 = tpu.memref_squeeze %dma_start3A_416 : memref<1x4x200x64xf32, #tpu.memory_space<vmem>> -> memref<4x200x64xf32, #tpu.memory_space<vmem>>
    tpu.enqueue_dma source(%dma_start3A_417 : memref<4x200x64xf32, #tpu.memory_space<vmem>>) target(%dma_start3A_412 : memref<4x200x64xf32, #tpu.memory_space<hbm>>) target_semaphore(%arg9 : memref<!tpu.dma_semaphore, #tpu.memory_space<semaphore_mem>>)
    %dma_wait3A_418 = arith.constant 0 : i32
    %dma_wait3A_419 = arith.constant 0 : i32
    %dma_wait3A_420 = arith.constant 0 : i32
    %dma_wait3A_421 = arith.constant 0 : i32
    %dma_wait3A_422 = tpu.memref_slice %arg6[%dma_wait3A_418, %dma_wait3A_419, %dma_wait3A_420, %dma_wait3A_421] : memref<2x4x200x64xf32, #tpu.memory_space<vmem>> -> memref<1x4x200x64xf32, #tpu.memory_space<vmem>>
    %dma_wait3A_423 = tpu.memref_squeeze %dma_wait3A_422 : memref<1x4x200x64xf32, #tpu.memory_space<vmem>> -> memref<4x200x64xf32, #tpu.memory_space<vmem>>
    %dma_wait3A_424 = arith.constant 0 : i32
    %dma_wait3A_425 = arith.constant 0 : i32
    %dma_wait3A_426 = tpu.memref_slice %arg4[%add3A_400, %dma_wait3A_424, %dma_wait3A_425] : memref<4096x200x64xf32, #tpu.memory_space<hbm>> -> memref<4x200x64xf32, #tpu.memory_space<hbm>>
    %dma_wait3A_427 = arith.constant 0 : i32
    %dma_wait3A_428 = arith.constant 0 : i32
    %dma_wait3A_429 = tpu.memref_slice %arg4[%add3A_400, %dma_wait3A_427, %dma_wait3A_428] : memref<4096x200x64xf32, #tpu.memory_space<hbm>> -> memref<4x200x64xf32, #tpu.memory_space<hbm>>
    %dma_wait3A_430 = arith.constant 0 : i32
    %dma_wait3A_431 = arith.constant 0 : i32
    %dma_wait3A_432 = arith.constant 0 : i32
    %dma_wait3A_433 = tpu.memref_slice %arg6[%dma_wait3A_418, %dma_wait3A_430, %dma_wait3A_431, %dma_wait3A_432] : memref<2x4x200x64xf32, #tpu.memory_space<vmem>> -> memref<1x4x200x64xf32, #tpu.memory_space<vmem>>
    %dma_wait3A_434 = tpu.memref_squeeze %dma_wait3A_433 : memref<1x4x200x64xf32, #tpu.memory_space<vmem>> -> memref<4x200x64xf32, #tpu.memory_space<vmem>>
    tpu.wait_dma2 semaphore(%arg9 : memref<!tpu.dma_semaphore, #tpu.memory_space<semaphore_mem>>) src(%dma_wait3A_434 : memref<4x200x64xf32, #tpu.memory_space<vmem>>) dst(%dma_wait3A_429 : memref<4x200x64xf32, #tpu.memory_space<hbm>>)
    %dma_wait3A_435 = arith.constant 1 : i32
    %dma_wait3A_436 = arith.constant 0 : i32
    %dma_wait3A_437 = arith.constant 0 : i32
    %dma_wait3A_438 = arith.constant 0 : i32
    %dma_wait3A_439 = tpu.memref_slice %arg6[%dma_wait3A_435, %dma_wait3A_436, %dma_wait3A_437, %dma_wait3A_438] : memref<2x4x200x64xf32, #tpu.memory_space<vmem>> -> memref<1x4x200x64xf32, #tpu.memory_space<vmem>>
    %dma_wait3A_440 = tpu.memref_squeeze %dma_wait3A_439 : memref<1x4x200x64xf32, #tpu.memory_space<vmem>> -> memref<4x200x64xf32, #tpu.memory_space<vmem>>
    %dma_wait3A_441 = arith.constant 0 : i32
    %dma_wait3A_442 = arith.constant 0 : i32
    %dma_wait3A_443 = arith.constant 0 : i32
    %dma_wait3A_444 = tpu.memref_slice %arg4[%dma_wait3A_441, %dma_wait3A_442, %dma_wait3A_443] : memref<4096x200x64xf32, #tpu.memory_space<hbm>> -> memref<4x200x64xf32, #tpu.memory_space<hbm>>
    %dma_wait3A_445 = arith.constant 0 : i32
    %dma_wait3A_446 = arith.constant 0 : i32
    %dma_wait3A_447 = arith.constant 0 : i32
    %dma_wait3A_448 = tpu.memref_slice %arg6[%dma_wait3A_435, %dma_wait3A_445, %dma_wait3A_446, %dma_wait3A_447] : memref<2x4x200x64xf32, #tpu.memory_space<vmem>> -> memref<1x4x200x64xf32, #tpu.memory_space<vmem>>
    %dma_wait3A_449 = tpu.memref_squeeze %dma_wait3A_448 : memref<1x4x200x64xf32, #tpu.memory_space<vmem>> -> memref<4x200x64xf32, #tpu.memory_space<vmem>>
    %dma_wait3A_450 = arith.constant 0 : i32
    %dma_wait3A_451 = arith.constant 0 : i32
    %dma_wait3A_452 = arith.constant 0 : i32
    %dma_wait3A_453 = tpu.memref_slice %arg4[%dma_wait3A_450, %dma_wait3A_451, %dma_wait3A_452] : memref<4096x200x64xf32, #tpu.memory_space<hbm>> -> memref<4x200x64xf32, #tpu.memory_space<hbm>>
    tpu.wait_dma2 semaphore(%arg8 : memref<!tpu.dma_semaphore, #tpu.memory_space<semaphore_mem>>) src(%dma_wait3A_453 : memref<4x200x64xf32, #tpu.memory_space<hbm>>) dst(%dma_wait3A_449 : memref<4x200x64xf32, #tpu.memory_space<vmem>>)
    %add3A_454 = arith.constant 124 : i32
    %add3A_455 = arith.addi %mul3A_2, %add3A_454 : i32
    %dma_start3A_456 = arith.constant 1 : i32
    %dma_start3A_457 = arith.constant 0 : i32
    %dma_start3A_458 = arith.constant 0 : i32
    %dma_start3A_459 = arith.constant 0 : i32
    %dma_start3A_460 = tpu.memref_slice %arg6[%dma_start3A_456, %dma_start3A_457, %dma_start3A_458, %dma_start3A_459] : memref<2x4x200x64xf32, #tpu.memory_space<vmem>> -> memref<1x4x200x64xf32, #tpu.memory_space<vmem>>
    %dma_start3A_461 = tpu.memref_squeeze %dma_start3A_460 : memref<1x4x200x64xf32, #tpu.memory_space<vmem>> -> memref<4x200x64xf32, #tpu.memory_space<vmem>>
    %dma_start3A_462 = arith.constant 0 : i32
    %dma_start3A_463 = arith.constant 0 : i32
    %dma_start3A_464 = tpu.memref_slice %arg4[%add3A_455, %dma_start3A_462, %dma_start3A_463] : memref<4096x200x64xf32, #tpu.memory_space<hbm>> -> memref<4x200x64xf32, #tpu.memory_space<hbm>>
    %dma_start3A_465 = arith.constant 0 : i32
    %dma_start3A_466 = arith.constant 0 : i32
    %dma_start3A_467 = tpu.memref_slice %arg4[%add3A_455, %dma_start3A_465, %dma_start3A_466] : memref<4096x200x64xf32, #tpu.memory_space<hbm>> -> memref<4x200x64xf32, #tpu.memory_space<hbm>>
    %dma_start3A_468 = arith.constant 0 : i32
    %dma_start3A_469 = arith.constant 0 : i32
    %dma_start3A_470 = arith.constant 0 : i32
    %dma_start3A_471 = tpu.memref_slice %arg6[%dma_start3A_456, %dma_start3A_468, %dma_start3A_469, %dma_start3A_470] : memref<2x4x200x64xf32, #tpu.memory_space<vmem>> -> memref<1x4x200x64xf32, #tpu.memory_space<vmem>>
    %dma_start3A_472 = tpu.memref_squeeze %dma_start3A_471 : memref<1x4x200x64xf32, #tpu.memory_space<vmem>> -> memref<4x200x64xf32, #tpu.memory_space<vmem>>
    tpu.enqueue_dma source(%dma_start3A_472 : memref<4x200x64xf32, #tpu.memory_space<vmem>>) target(%dma_start3A_467 : memref<4x200x64xf32, #tpu.memory_space<hbm>>) target_semaphore(%arg10 : memref<!tpu.dma_semaphore, #tpu.memory_space<semaphore_mem>>)
    %dma_wait3A_473 = arith.constant 1 : i32
    %dma_wait3A_474 = arith.constant 0 : i32
    %dma_wait3A_475 = arith.constant 0 : i32
    %dma_wait3A_476 = arith.constant 0 : i32
    %dma_wait3A_477 = tpu.memref_slice %arg6[%dma_wait3A_473, %dma_wait3A_474, %dma_wait3A_475, %dma_wait3A_476] : memref<2x4x200x64xf32, #tpu.memory_space<vmem>> -> memref<1x4x200x64xf32, #tpu.memory_space<vmem>>
    %dma_wait3A_478 = tpu.memref_squeeze %dma_wait3A_477 : memref<1x4x200x64xf32, #tpu.memory_space<vmem>> -> memref<4x200x64xf32, #tpu.memory_space<vmem>>
    %dma_wait3A_479 = arith.constant 0 : i32
    %dma_wait3A_480 = arith.constant 0 : i32
    %dma_wait3A_481 = tpu.memref_slice %arg4[%add3A_455, %dma_wait3A_479, %dma_wait3A_480] : memref<4096x200x64xf32, #tpu.memory_space<hbm>> -> memref<4x200x64xf32, #tpu.memory_space<hbm>>
    %dma_wait3A_482 = arith.constant 0 : i32
    %dma_wait3A_483 = arith.constant 0 : i32
    %dma_wait3A_484 = tpu.memref_slice %arg4[%add3A_455, %dma_wait3A_482, %dma_wait3A_483] : memref<4096x200x64xf32, #tpu.memory_space<hbm>> -> memref<4x200x64xf32, #tpu.memory_space<hbm>>
    %dma_wait3A_485 = arith.constant 0 : i32
    %dma_wait3A_486 = arith.constant 0 : i32
    %dma_wait3A_487 = arith.constant 0 : i32
    %dma_wait3A_488 = tpu.memref_slice %arg6[%dma_wait3A_473, %dma_wait3A_485, %dma_wait3A_486, %dma_wait3A_487] : memref<2x4x200x64xf32, #tpu.memory_space<vmem>> -> memref<1x4x200x64xf32, #tpu.memory_space<vmem>>
    %dma_wait3A_489 = tpu.memref_squeeze %dma_wait3A_488 : memref<1x4x200x64xf32, #tpu.memory_space<vmem>> -> memref<4x200x64xf32, #tpu.memory_space<vmem>>
    tpu.wait_dma2 semaphore(%arg10 : memref<!tpu.dma_semaphore, #tpu.memory_space<semaphore_mem>>) src(%dma_wait3A_489 : memref<4x200x64xf32, #tpu.memory_space<vmem>>) dst(%dma_wait3A_484 : memref<4x200x64xf32, #tpu.memory_space<hbm>>)
    return
  }
}

</mosaic_0001>

<sc_bundles>
// kernel: kernel.3.cloned.1.call-start
scs
__scs_entry_jumppad:
0x0: {  	(pc) =	sbr.rel $0x88, $3  }
0x1: {  	(tag) =	ssettag $0x0;
	lr =	simm.s32 $0x1  }
0x2: {  	[smem:$0x3F9F] =	sst lr;
	_ =	strace $0xD0000000  }
0x3: {  	_ = 	snop  }
0x4: {  	_ = 	snop  }
0x5: {  	_ = 	snop  }
0x6: {  	_ = 	snop  }
0x7: {  	_ = 	snop  }
__scs_overlays_trampoline_lowered:
0x8: {  	[smem:$0x3FAE] =	sst s0  }
0x9: {  	[smem:$0x3FAF] =	sst s1  }
0xa: {  	[smem:$0x3FB0] =	sst s2  }
0xb: {  	[smem:$0x3FB1] =	sst s3  }
0xc: {  	[smem:$0x3FB2] =	sst s4  }
0xd: {  	[smem:$0x3FB3] =	sst s5  }
0xe: {  	[smem:$0x3FB4] =	sst s6  }
0xf: {  	[smem:$0x3FB5] =	sst s7  }
0x10: {  	[smem:$0x3FB6] =	sst s8  }
0x11: {  	[smem:$0x3FB7] =	sst s9;
	s0 =	simm.s32 @!p0 $0x0  }
0x12: {  	s1 =	sld [smem:$0x3F9D];
	s0 =	simm.s32 @p0 $0x1  }
0x13: {  	[smem:$0x3FB8] =	sst s0;
	s0 =	simm.s32 @!p1 $0x0  }
0x14: {  	s2 =	sld [smem:$0x3F9C];
	s0 =	simm.s32 @p1 $0x1  }
0x15: {  	[smem:$0x3FB9] =	sst s0;
	s0 =	simm.s32 @!p2 $0x0  }
0x16: {  	s3 =	sld [smem:$0x3FDB];
	s0 =	simm.s32 @p2 $0x1  }
0x17: {  	s4 =	simm.s32 $0x1BF5;
	[smem:$0x3FBB] =	sst s0  }
0x18: {  	s0 =	sld [smem:$0x3F9E];
	_ =	swait.ge [sflag:s4], $0x0  }
0x19: {  	s7 =	sld [smem:$0x3F9F]  }
0x1a: {  	s8 =	sadd.s32 $0xFFFFE003, lr  }
0x1b: {  	s9 =	sadd.s32 $0xFFFFFEF7, lr;
	s5 =	simm.s32 $0xFFFFFFFF;
	p2 =	slt.u32 s8, $0xFFFFF086  }
0x1c: {  	p1 =	slt.u32 s9, $0xF7A;
	s5 =	simm.s32 @!p2 $0x0  }
0x1d: {  	s5 =	simm.s32 @p1 $0x1;
	p0 =	seq.s32 s7, s2  }
0x1e: {  	s7 =	smul.u32 @!p0 $0xF7A, s2;
	p2 =	seq.s32 @!p0 s5, $0x0  }
0x1f: {  	s9 =	smul.u32 $0xF7A, s1;
	s8 =	simm.s32 @!p0 $0x1BF5;
	p2 =	por !p2, p0  }
0x20: {  	[sflag:s8] =	ssyncset.s32 @!p0 $0xFFFFF086;
	s6 =	sadd.s32 @!p0 s3, s7;
	s7 =	simm.s32 @!p0 $0x108  }
0x21: {  	s3 =	sadd.s32 s3, s9;
	s6 =	sadd.s32 @!p0 $0x88, s6;
	s7 =	simm.s32 @p2 $0x1082  }
0x22: {  	[simem:s7], [sflag:s8] =	dma.local @!p0 [hbm:s6], $0xF7A  }
0x23: {  	s9 =	sor.u32 $0xD0000000, s2;
	s6 =	simm.s32 $0x108;
	_ =	swait.ge @!p0 [sflag:s8], $0x0  }
0x24: {  	s3 =	sadd.s32 $0x88, s3;
	s6 =	simm.s32 @!p1 $0x1082;
	[sflag:s4] =	ssyncset.s32 $0xFFFFF086  }
0x25: {  	[simem:s6], [sflag:s4] =	dma.local [hbm:s3], $0xF7A  }
0x26: {  	[smem:$0x3F9F] =	sst s1;
	(tag) =	ssettag s2;
	_ =	strace s9  }
0x27: {  	s1 =	sld [smem:$0x3FAF]  }
0x28: {  	s2 =	sld [smem:$0x3FB0]  }
0x29: {  	s4 =	sld [smem:$0x3FB2]  }
0x2a: {  	p0 =	seq.s32 s5, $0x0;
	s5 =	sld [smem:$0x3FB3]  }
0x2b: {  	s6 =	sld [smem:$0x3FB4]  }
0x2c: {  	s7 =	sld [smem:$0x3FB5]  }
0x2d: {  	s3 =	simm.s32 $0x108;
	s8 =	sld [smem:$0x3FB6]  }
0x2e: {  	s3 =	simm.s32 @!p0 $0x1082;
	s9 =	sld [smem:$0x3FB7]  }
0x2f: {  	lr =	sadd.s32 s0, s3;
	s0 =	sld [smem:$0x3FAE]  }
0x30: {  	s3 =	sld [smem:$0x3FB1]  }
0x31: {  	[smem:$0x3FBA] =	sst s10  }
0x32: {  	s10 =	sld [smem:$0x3FB8];
	_ =	sdelay $0x3  }
0x33: {  	p0 =	seq.s32 s10, $0x1;
	s10 =	sld [smem:$0x3FBA];
	_ =	sdelay $0x3  }
0x34: {  	[smem:$0x3FBA] =	sst s10  }
0x35: {  	s10 =	sld [smem:$0x3FB9];
	_ =	sdelay $0x3  }
0x36: {  	p1 =	seq.s32 s10, $0x1;
	s10 =	sld [smem:$0x3FBA];
	_ =	sdelay $0x3  }
0x37: {  	[smem:$0x3FBA] =	sst s10  }
0x38: {  	s10 =	sld [smem:$0x3FBB]  }
0x39: {  	_ = 	snop;
	(pc) =	sbr.ind lr, $3  }
0x3a: {  	_ = 	snop  }
0x3b: {  	_ = 	snop  }
0x3c: {  	p2 =	seq.s32 s10, $0x1;
	s10 =	sld [smem:$0x3FBA]  }
0x3d: {  	_ =	shalt  }
0x3e: {  	_ =	shalt  }
0x3f: {  	_ =	shalt  }
0x40: {  	_ =	shalt  }
0x41: {  	_ =	shalt  }
0x42: {  	_ =	shalt  }
0x43: {  	_ =	shalt  }
0x44: {  	_ =	shalt  }
0x45: {  	_ =	shalt  }
0x46: {  	_ =	shalt  }
0x47: {  	_ =	shalt  }
0x48: {  	_ =	shalt  }
0x49: {  	_ =	shalt  }
0x4a: {  	_ =	shalt  }
0x4b: {  	_ =	shalt  }
0x4c: {  	_ =	shalt  }
0x4d: {  	_ =	shalt  }
0x4e: {  	_ =	shalt  }
0x4f: {  	_ =	shalt  }
0x50: {  	_ =	shalt  }
0x51: {  	_ =	shalt  }
0x52: {  	_ =	shalt  }
0x53: {  	_ =	shalt  }
0x54: {  	_ =	shalt  }
0x55: {  	_ =	shalt  }
0x56: {  	_ =	shalt  }
0x57: {  	_ =	shalt  }
0x58: {  	_ =	shalt  }
0x59: {  	_ =	shalt  }
0x5a: {  	_ =	shalt  }
0x5b: {  	_ =	shalt  }
0x5c: {  	_ =	shalt  }
0x5d: {  	_ =	shalt  }
0x5e: {  	_ =	shalt  }
0x5f: {  	_ =	shalt  }
0x60: {  	_ =	shalt  }
0x61: {  	_ =	shalt  }
0x62: {  	_ =	shalt  }
0x63: {  	_ =	shalt  }
0x64: {  	_ =	shalt  }
0x65: {  	_ =	shalt  }
0x66: {  	_ =	shalt  }
0x67: {  	_ =	shalt  }
0x68: {  	_ =	shalt  }
0x69: {  	_ =	shalt  }
0x6a: {  	_ =	shalt  }
0x6b: {  	_ =	shalt  }
0x6c: {  	_ =	shalt  }
0x6d: {  	_ =	shalt  }
0x6e: {  	_ =	shalt  }
0x6f: {  	_ =	shalt  }
0x70: {  	_ =	shalt  }
0x71: {  	_ =	shalt  }
0x72: {  	_ =	shalt  }
0x73: {  	_ =	shalt  }
0x74: {  	_ =	shalt  }
0x75: {  	_ =	shalt  }
0x76: {  	_ =	shalt  }
0x77: {  	_ =	shalt  }
0x78: {  	_ =	shalt  }
0x79: {  	_ =	shalt  }
0x7a: {  	_ =	shalt  }
0x7b: {  	_ =	shalt  }
0x7c: {  	_ =	shalt  }
0x7d: {  	_ =	shalt  }
0x7e: {  	_ =	shalt  }
0x7f: {  	_ =	shalt  }
0x80: {  	_ =	shalt  }
0x81: {  	_ =	shalt  }
0x82: {  	_ =	shalt  }
0x83: {  	_ =	shalt  }
0x84: {  	_ =	shalt  }
0x85: {  	_ =	shalt  }
0x86: {  	_ =	shalt  }
0x87: {  	_ =	shalt  }
.Lfunc_end0:
.L_simem_size_0:
called_computation.1_lowered:
.L_overlay_start_0:
0x88: {  	s2 =	sld [smem:$0x3FD9]  }
0x89: {  	s3 =	sld [smem:$0x3FFE];
	_ =	sdelay $0x1  }
0x8a: {  	s1 =	srdreg.scid  }
0x8b: {  	s0 =	sand.u32 $0x1, s1  }
0x8c: {  	s17 =	sshll.u32 s0, $0xA;
	s2 =	sadd.s32 s3, s2  }
0x8d: {  	s2 =	sadd.s32 s2, s17  }
0x8e: {  	[smem:$0x3FC6] =	sst s2  }
0x8f: {  	_ = 	snop  }
0x90: {  	s2 =	sld [smem:$0x3FD0];
	(tm) =	ssettm $0x1  }
0x91: {  	s18 =	sld [smem:$0x3FFB];
	_ =	sdelay $0x3  }
0x92: {  	_ =	strace s18  }
0x93: {  	s3 =	sld [smem:$0x3FFC];
	_ =	sdelay $0x3  }
0x94: {  	_ =	strace s3  }
0x95: {  	s3 =	sld [smem:$0x3FFD];
	_ =	sdelay $0x3  }
0x96: {  	_ =	strace s3  }
0x97: {  	_ =	strace $0x8FFFFFFF  }
0x98: {  	s19 =	sld [smem:$0x3FDB];
	_ =	sdelay $0x1  }
0x99: {  	s4 =	simm.s32 $_scs_section_size  }
0x9a: {  	s5 =	simm.s32 $_size__tile_overlayer_lowered;
	s6 =	simm.s32 $_tile_overlayer_lowered  }
0x9b: {  	s22 =	simm.s32 $0x1BFF;
	s21 =	sshll.u32 s6, $0x1;
	s3 =	sadd.s32 s4, s19  }
0x9c: {  	s7 =	simm.s32 $0x0;
	s20 =	sshll.u32 s5, $0x1;
	s5 =	sadd.s32 s21, s3  }
0x9d: {  	[timem:s7], [sflag:s22] =	dma.local [hbm:s5], s20  }
0x9e: {  	_ =	swait.ge [sflag:s22], s20  }
0x9f: {  	s4 =	ssub.s32 $0x0, s20;
	[sflag:s22] =	ssyncset.done $0x0  }
0xa0: {  	[sflag:s22] =	ssyncadd.s32 s4;
	_ =	sdelay $0x1  }
0xa1: {  	s23 =	simm.s32 $0x1B8B  }
0xa2: {  	_ =	swait.ge [sflag:s23], $0x1  }
0xa3: {  	[sflag:s23] =	ssyncset.done $0x0  }
0xa4: {  	s25 =	simm.s32 $0x1B8E;
	s24 =	sld [smem:$0x3FFE];
	[sflag:s23] =	ssyncadd.s32 $0xFFFFFFFF  }
0xa5: {  	s26 =	simm.s32 $execute0_lowered;
	[smem:$0x3FD2] =	sst s25  }
0xa6: {  	s5 =	sshll.u32 s26, $0x1;
	_ =	strace $0x80000046;
	[dreg:$0x1] =	wrdreg $0xFFFFFFFF  }
0xa7: {  	s28 =	simm.s32 $_size_execute0_lowered;
	s3 =	sadd.s32 s3, s5;
	[dreg:$0x0] =	wrdreg $0x0  }
0xa8: {  	s5 =	sshll.u32 s28, $0x1;
	[dreg:$0x2] =	wrdreg s3  }
0xa9: {  	[dreg:$0x3] =	wrdreg s5  }
0xaa: {  	[dreg:$0x4] =	wrdreg $0xC0  }
0xab: {  	_ =	task [dreg:s7], $0x5FFFF  }
0xac: {  	[dreg:$0x1] =	wrdreg $0xFFFFFFFF  }
0xad: {  	[dreg:$0x0] =	wrdreg $0x60  }
0xae: {  	[dreg:$0x2] =	wrdreg s24  }
0xaf: {  	[dreg:$0x3] =	wrdreg s2  }
0xb0: {  	[dreg:$0x4] =	wrdreg $0x9  }
0xb1: {  	_ =	task.clear_ibuf [dreg:s7], $0x5FFFF;
	_ =	strace $0x90000046  }
0xb2: {  	s29 =	simm.s32 $0x9;
	_ =	strace $0x80000048  }
0xb3: {  	_ =	swait.ge [sflag:s29], $0x1  }
0xb4: {  	[sflag:s29] =	ssyncadd.s32 $0xFFFFFFFF  }
0xb5: {  	_ =	strace $0x90000048  }
0xb6: {  	_ =	sfence  }
0xb7: {  	s30 =	sld [smem:$0x0];
	_ =	sdelay $0x2  }
0xb8: {  	s31 =	sshll.u32 s1, $0xD;
	s1 =	sshrl.u32 s1, $0x2  }
0xb9: {  	s3 =	sand.u32 $0x4000, s31;
	s1 =	sadd.s32 s1, s30  }
0xba: {  	s0 =	sor.u32 s3, s0;
	s1 =	sshll.u32 s1, $0x11  }
0xbb: {  	s0 =	sor.u32 s1, s0  }
0xbc: {  	s0 =	sadd.s32 $0x8F2B, s0  }
0xbd: {  	[sflag:s0] =	ssyncadd.remote.s32 $0x1  }
0xbe: {  	_ =	sfence.sel $0xFFFF  }
0xbf: {  	[dreg:$0x0] =	wrdreg $0xFFFFFFFF;
	(pc) =	sbr.abs _section_cstart, $3  }
0xc0: {  	[dreg:$0x1] =	wrdreg $0xFFFFFFFF  }
0xc1: {  	_ =	task.clear_ibuf [dreg:s7], $0x2FFFF;
	_ =	strace $0x9FFFFFFF  }
0xc2: {  	(tm) =	ssettm $0x7FFFFFFF  }
0xc3: {  	_ =	shalt  }
tec
execute0_lowered:
.L_overlay_start_1:
0x0: {  	(tag) =	ssettag $0x1  }
0x1: {  	s0 =	srdreg.scid;
	s1 =	rddreg [dreg:$0x0]  }
0x2: {  	s10 =	stileid.u32;
	s4 =	rddreg [dreg:$0x1]  }
0x3: {  	s2 =	simm.s32 $0x0;
	s11 =	simm.s32 $0x80;
	s12 =	simm.s32 $0x640  }
0x4: {  	s13 =	simm.s32 $0x48;
	s30 =	simm.s32 $0x3840;
	s14 =	simm.s32 $0x2D8  }
0x5: {  	s15 =	simm.s32 $0xBC40;
	s28 =	simm.s32 $0x320;
	s29 =	simm.s32 $0xCE40  }
0x6: {  	s16 =	simm.s32 $0x3A0;
	s31 =	simm.s32 $0x3E8;
	s0 =	sand.u32 $0x1, s0  }
0x7: {  	s3 =	sshll.u32 s10, $0x8;
	[smem:$0x7FF] =	sst s2;
	s21 =	smul.u32 $0x1900, s10  }
0x8: {  	s9 =	sadd.s32 $0xA00, s1;
	s24 =	smul.u32 $0x64000, s10;
	s10 =	simm.s32 $0x5  }
0x9: {  	s5 =	sshll.u32 s0, $0x7;
	s17 =	ssub.s32 $0x2, s0;
	s22 =	smul.u32 $0xC80, s0  }
0xa: {  	_ =	strace $0x80000047;
	s0 =	smul.u32 $0x32000, s0;
	s3 =	sor.u32 s5, s3  }
0xb: {  	s7 =	sshrl.u32 s17, $0x1;
	s26 =	sadd.s32 s24, s4;
	s6 =	smul.u32 $0x19, s3  }
0xc: {  	s24 =	simm.s32 $0x468;
	s8 =	smul.u32 $0x3200, s3;
	s3 =	sadd.s32 $0xF42E00, s1  }
0xd: {  	s18 =	ssub.s32 s17, s7;
	s0 =	sadd.s32 s0, s26;
	s26 =	simm.s32 $0xC8  }
0xe: {  	s17 =	simm.s32 $0xEE40;
	s1 =	smax.u32 s18, $0x1;
	[dreg:$0x9] =	wrdreg s0  }
0xf: {  	s0 =	simm.s32 $0x5840;
	s18 =	simm.s32 $0x1;
	s19 =	sadd.s32 s9, s6  }
0x10: {  	s20 =	sshrl.u32 s8, $0x3;
	s6 =	sadd.s32 s21, s9;
	[dreg:$0x8] =	wrdreg s1  }
0x11: {  	s1 =	simm.s32 $0x148;
	s8 =	simm.s32 $0x258;
	s9 =	simm.s32 $0x9C40  }
0x12: {  	s21 =	simm.s32 $0x4;
	[dreg:$0x4] =	wrdreg s19;
	s7 =	sadd.s32 $0x64, s19  }
0x13: {  	s5 =	sadd.s32 s4, s20;
	s25 =	sadd.s32 s22, s6;
	s6 =	simm.s32 $0x6A40  }
0x14: {  	s4 =	simm.s32 $0x210;
	s19 =	simm.s32 $0x3;
	[dreg:$0x5] =	wrdreg s7  }
0x15: {  	s20 =	simm.s32 $0x2;
	s22 =	simm.s32 $0x0;
	[dreg:$0x3] =	wrdreg s25  }
0x16: {  	s23 =	sadd.s32 $0x2EE00, s5;
	s5 =	sadd.s32 $0x30700, s5;
	[dreg:$0xa] =	wrdreg s22  }
0x17: {  	s25 =	simm.s32 $0x2640;
	s7 =	simm.s32 $0x8A40;
	[dreg:$0x6] =	wrdreg s23  }
0x18: {  	[dreg:$0x7] =	wrdreg s5;
	s5 =	simm.s32 $0x190;
	s23 =	simm.s32 $0x10040  }
.LBB2_1:
0x19: {  	s22 =	rddreg [dreg:$0x4]  }
0x1a: {  	[tilespmem:s2], [sflag:$0x5] =	stream.linear.gather [hbm4b:s22+s2], $0x320, $0x38;
	[tilespmem:$0x19640] =	vst v63  }
0x1b: {  	_ =	swait.ge [sflag:s10], $0x320  }
0x1c: {  	[sflag:s10] =	ssyncset.done $0x0  }
0x1d: {  	[sflag:s10] =	ssyncadd.s32 $0xFFFFFCE0  }
0x1e: {  	[tilespmem:s12], [sflag:$0x1] =	stream.indirect.gather [hbm4b:s3+s11], $0x40, s2, s11, $0xb8;
	[tilespmem:$0x19640] =	vst v63  }
0x1f: {  	_ = 	snop  }
0x20: {  	[tilespmem:s25], [sflag:$0x1] =	stream.indirect.gather [hbm4b:s3+s13], $0x40, s11, s13, $0xb8;
	[tilespmem:$0x19640] =	vst v63  }
0x21: {  	_ = 	snop  }
0x22: {  	[tilespmem:s30], [sflag:$0x1] =	stream.indirect.gather [hbm4b:s3+s11], $0x40, s26, s11, $0xb8;
	[tilespmem:$0x19640] =	vst v63  }
0x23: {  	_ = 	snop  }
0x24: {  	[tilespmem:s0], [sflag:$0x1] =	stream.indirect.gather [hbm4b:s3+s13], $0x40, s1, s13, $0xb8;
	[tilespmem:$0x19640] =	vst v63  }
0x25: {  	_ = 	snop  }
0x26: {  	[tilespmem:s6], [sflag:$0x1] =	stream.indirect.gather [hbm4b:s3+s11], $0x40, s5, s11, $0xb8;
	[tilespmem:$0x19640] =	vst v63  }
0x27: {  	_ = 	snop  }
0x28: {  	[tilespmem:s7], [sflag:$0x1] =	stream.indirect.gather [hbm4b:s3+s13], $0x40, s4, s13, $0xb8;
	[tilespmem:$0x19640] =	vst v63  }
0x29: {  	_ = 	snop  }
0x2a: {  	[tilespmem:s9], [sflag:$0x1] =	stream.indirect.gather [hbm4b:s3+s11], $0x40, s8, s11, $0xb8;
	[tilespmem:$0x19640] =	vst v63  }
0x2b: {  	_ = 	snop  }
0x2c: {  	[tilespmem:s15], [sflag:$0x1] =	stream.indirect.gather [hbm4b:s3+s13], $0x40, s14, s13, $0xb8;
	[tilespmem:$0x19640] =	vst v63  }
0x2d: {  	s22 =	rddreg [dreg:$0x5]  }
0x2e: {  	[tilespmem:s28], [sflag:$0x5] =	stream.linear.gather [hbm4b:s22+s2], $0x320, $0x38;
	[tilespmem:$0x19640] =	vst v63  }
0x2f: {  	_ =	swait.ge [sflag:s10], $0x320  }
0x30: {  	[sflag:s10] =	ssyncset.done $0x0  }
0x31: {  	[sflag:s10] =	ssyncadd.s32 $0xFFFFFCE0  }
0x32: {  	[tilespmem:s29], [sflag:$0x2] =	stream.indirect.gather [hbm4b:s3+s11], $0x40, s28, s11, $0xb8;
	[tilespmem:$0x19640] =	vst v63  }
0x33: {  	_ = 	snop  }
0x34: {  	[tilespmem:s17], [sflag:$0x2] =	stream.indirect.gather [hbm4b:s3+s13], $0x40, s16, s13, $0xb8;
	[tilespmem:$0x19640] =	vst v63  }
0x35: {  	_ = 	snop  }
0x36: {  	[tilespmem:s23], [sflag:$0x2] =	stream.indirect.gather [hbm4b:s3+s11], $0x40, s31, s11, $0xb8;
	[tilespmem:$0x19640] =	vst v63  }
0x37: {  	s23 =	simm.s32 $0x12040  }
0x38: {  	[tilespmem:s23], [sflag:$0x2] =	stream.indirect.gather [hbm4b:s3+s13], $0x40, s24, s13, $0xb8;
	[tilespmem:$0x19640] =	vst v63  }
0x39: {  	s23 =	simm.s32 $0x4B0;
	s24 =	simm.s32 $0x13240  }
0x3a: {  	[tilespmem:s24], [sflag:$0x2] =	stream.indirect.gather [hbm4b:s3+s11], $0x40, s23, s11, $0xb8;
	[tilespmem:$0x19640] =	vst v63  }
0x3b: {  	s23 =	simm.s32 $0x530;
	s24 =	simm.s32 $0x15240  }
0x3c: {  	[tilespmem:s24], [sflag:$0x2] =	stream.indirect.gather [hbm4b:s3+s13], $0x40, s23, s13, $0xb8;
	[tilespmem:$0x19640] =	vst v63  }
0x3d: {  	s23 =	simm.s32 $0x578;
	s24 =	simm.s32 $0x16440  }
0x3e: {  	[tilespmem:s24], [sflag:$0x2] =	stream.indirect.gather [hbm4b:s3+s11], $0x40, s23, s11, $0xb8;
	[tilespmem:$0x19640] =	vst v63  }
0x3f: {  	s23 =	simm.s32 $0x5F8;
	s24 =	simm.s32 $0x18440  }
0x40: {  	[tilespmem:s24], [sflag:$0x2] =	stream.indirect.gather [hbm4b:s3+s13], $0x40, s23, s13, $0xb8;
	[tilespmem:$0x19640] =	vst v63  }
0x41: {  	_ =	swait.ge [sflag:s18], $0xC800  }
0x42: {  	[sflag:s18] =	ssyncset.done $0x0;
	s23 =	rddreg [dreg:$0x3]  }
0x43: {  	s24 =	rddreg [dreg:$0x9];
	[sflag:s18] =	ssyncadd.s32 $0xFFFF3800;
	s22 =	sadd.s32 $0x0, s23  }
0x44: {  	[hbm4b:s24+s2] =	stream.linear.scatter [tilespmem:s12], [sflag:$0x3], $0xC800, $0x38;
	[tilespmem:$0x19640] =	vst v63  }
0x45: {  	s23 =	sadd.s32 $0xC8, s22  }
0x46: {  	[tilespmem:s2], [sflag:$0x5] =	stream.linear.gather [hbm4b:s23+s2], $0x320, $0x38;
	[tilespmem:$0x19640] =	vst v63  }
0x47: {  	_ =	swait.ge [sflag:s10], $0x320  }
0x48: {  	[sflag:s10] =	ssyncset.done $0x0  }
0x49: {  	[sflag:s10] =	ssyncadd.s32 $0xFFFFFCE0  }
0x4a: {  	_ =	swait.ge [sflag:s19], $0xC800  }
0x4b: {  	[sflag:s19] =	ssyncset.done $0x0  }
0x4c: {  	[sflag:s19] =	ssyncadd.s32 $0xFFFF3800  }
0x4d: {  	[tilespmem:s12], [sflag:$0x1] =	stream.indirect.gather [hbm4b:s3+s11], $0x40, s2, s11, $0xb8;
	[tilespmem:$0x19640] =	vst v63  }
0x4e: {  	_ = 	snop  }
0x4f: {  	[tilespmem:s25], [sflag:$0x1] =	stream.indirect.gather [hbm4b:s3+s13], $0x40, s11, s13, $0xb8;
	[tilespmem:$0x19640] =	vst v63  }
0x50: {  	_ = 	snop  }
0x51: {  	[tilespmem:s30], [sflag:$0x1] =	stream.indirect.gather [hbm4b:s3+s11], $0x40, s26, s11, $0xb8;
	[tilespmem:$0x19640] =	vst v63  }
0x52: {  	_ = 	snop  }
0x53: {  	[tilespmem:s0], [sflag:$0x1] =	stream.indirect.gather [hbm4b:s3+s13], $0x40, s1, s13, $0xb8;
	[tilespmem:$0x19640] =	vst v63  }
0x54: {  	_ = 	snop  }
0x55: {  	[tilespmem:s6], [sflag:$0x1] =	stream.indirect.gather [hbm4b:s3+s11], $0x40, s5, s11, $0xb8;
	[tilespmem:$0x19640] =	vst v63  }
0x56: {  	_ = 	snop  }
0x57: {  	[tilespmem:s7], [sflag:$0x1] =	stream.indirect.gather [hbm4b:s3+s13], $0x40, s4, s13, $0xb8;
	[tilespmem:$0x19640] =	vst v63  }
0x58: {  	_ = 	snop  }
0x59: {  	[tilespmem:s9], [sflag:$0x1] =	stream.indirect.gather [hbm4b:s3+s11], $0x40, s8, s11, $0xb8;
	[tilespmem:$0x19640] =	vst v63  }
0x5a: {  	_ = 	snop  }
0x5b: {  	[tilespmem:s15], [sflag:$0x1] =	stream.indirect.gather [hbm4b:s3+s13], $0x40, s14, s13, $0xb8;
	[tilespmem:$0x19640] =	vst v63  }
0x5c: {  	_ =	swait.ge [sflag:s20], $0xC800  }
0x5d: {  	[sflag:s20] =	ssyncset.done $0x0  }
0x5e: {  	s9 =	sadd.s32 $0x1900, s24;
	[sflag:s20] =	ssyncadd.s32 $0xFFFF3800  }
0x5f: {  	[hbm4b:s9+s2] =	stream.linear.scatter [tilespmem:s29], [sflag:$0x4], $0xC800, $0x38;
	[tilespmem:$0x19640] =	vst v63  }
0x60: {  	s22 =	sadd.s32 $0x12C, s22  }
0x61: {  	[tilespmem:s28], [sflag:$0x5] =	stream.linear.gather [hbm4b:s22+s2], $0x320, $0x38;
	[tilespmem:$0x19640] =	vst v63  }
0x62: {  	_ =	swait.ge [sflag:s10], $0x320  }
0x63: {  	[sflag:s10] =	ssyncset.done $0x0  }
0x64: {  	[sflag:s10] =	ssyncadd.s32 $0xFFFFFCE0  }
0x65: {  	_ =	swait.ge [sflag:s21], $0xC800  }
0x66: {  	s23 =	simm.s32 $0x530;
	s25 =	simm.s32 $0x15240;
	[sflag:s21] =	ssyncset.done $0x0  }
0x67: {  	s26 =	simm.s32 $0x578;
	s30 =	simm.s32 $0x16440;
	[sflag:s21] =	ssyncadd.s32 $0xFFFF3800  }
0x68: {  	[tilespmem:s29], [sflag:$0x2] =	stream.indirect.gather [hbm4b:s3+s11], $0x40, s28, s11, $0xb8;
	[tilespmem:$0x19640] =	vst v63  }
0x69: {  	s0 =	simm.s32 $0x5840;
	s1 =	simm.s32 $0x3E8;
	s5 =	simm.s32 $0x190  }
0x6a: {  	[tilespmem:s17], [sflag:$0x2] =	stream.indirect.gather [hbm4b:s3+s13], $0x40, s16, s13, $0xb8;
	[tilespmem:$0x19640] =	vst v63  }
0x6b: {  	s6 =	simm.s32 $0x6A40;
	s4 =	simm.s32 $0x210;
	s14 =	simm.s32 $0x10040  }
0x6c: {  	[tilespmem:s14], [sflag:$0x2] =	stream.indirect.gather [hbm4b:s3+s11], $0x40, s31, s11, $0xb8;
	[tilespmem:$0x19640] =	vst v63  }
0x6d: {  	s7 =	simm.s32 $0x8A40;
	s15 =	simm.s32 $0x12040;
	s16 =	simm.s32 $0x468  }
0x6e: {  	[tilespmem:s15], [sflag:$0x2] =	stream.indirect.gather [hbm4b:s3+s13], $0x40, s16, s13, $0xb8;
	[tilespmem:$0x19640] =	vst v63  }
0x6f: {  	s8 =	simm.s32 $0x258;
	s22 =	simm.s32 $0x13240;
	s17 =	simm.s32 $0x4B0  }
0x70: {  	[tilespmem:s22], [sflag:$0x2] =	stream.indirect.gather [hbm4b:s3+s11], $0x40, s17, s11, $0xb8;
	[tilespmem:$0x19640] =	vst v63  }
0x71: {  	s9 =	simm.s32 $0x9C40;
	s14 =	simm.s32 $0x2D8;
	s31 =	simm.s32 $0x3840  }
0x72: {  	[tilespmem:s25], [sflag:$0x2] =	stream.indirect.gather [hbm4b:s3+s13], $0x40, s23, s13, $0xb8;
	[tilespmem:$0x19640] =	vst v63  }
0x73: {  	s15 =	simm.s32 $0xBC40;
	s16 =	simm.s32 $0x3A0;
	s22 =	simm.s32 $0xC8  }
0x74: {  	[tilespmem:s30], [sflag:$0x2] =	stream.indirect.gather [hbm4b:s3+s11], $0x40, s26, s11, $0xb8;
	[tilespmem:$0x19640] =	vst v63  }
0x75: {  	s17 =	simm.s32 $0xEE40;
	s23 =	smov.u32 s24;
	s26 =	simm.s32 $0x2640  }
.LBB2_2:
0x76: {  	s25 =	simm.s32 $0x5F8;
	s30 =	simm.s32 $0x18440  }
0x77: {  	[tilespmem:s30], [sflag:$0x2] =	stream.indirect.gather [hbm4b:s3+s13], $0x40, s25, s13, $0xb8;
	[tilespmem:$0x19640] =	vst v63  }
0x78: {  	_ =	swait.ge [sflag:s18], $0xC800  }
0x79: {  	s24 =	smov.u32 s22;
	[sflag:s18] =	ssyncset.done $0x0;
	s30 =	rddreg [dreg:$0x3]  }
0x7a: {  	s23 =	sadd.s32 $0x3200, s23;
	[sflag:s18] =	ssyncadd.s32 $0xFFFF3800;
	s24 =	sadd.s32 s24, s30  }
0x7b: {  	[hbm4b:s23+s2] =	stream.linear.scatter [tilespmem:s12], [sflag:$0x3], $0xC800, $0x38;
	[tilespmem:$0x19640] =	vst v63  }
0x7c: {  	s25 =	sadd.s32 $0xC8, s24  }
0x7d: {  	[tilespmem:s2], [sflag:$0x5] =	stream.linear.gather [hbm4b:s25+s2], $0x320, $0x38;
	[tilespmem:$0x19640] =	vst v63  }
0x7e: {  	_ =	swait.ge [sflag:s10], $0x320  }
0x7f: {  	[sflag:s10] =	ssyncset.done $0x0  }
0x80: {  	[sflag:s10] =	ssyncadd.s32 $0xFFFFFCE0  }
0x81: {  	_ =	swait.ge [sflag:s19], $0xC800  }
0x82: {  	[sflag:s19] =	ssyncset.done $0x0  }
0x83: {  	[sflag:s19] =	ssyncadd.s32 $0xFFFF3800  }
0x84: {  	[tilespmem:s12], [sflag:$0x1] =	stream.indirect.gather [hbm4b:s3+s11], $0x40, s2, s11, $0xb8;
	[tilespmem:$0x19640] =	vst v63  }
0x85: {  	_ = 	snop  }
0x86: {  	[tilespmem:s26], [sflag:$0x1] =	stream.indirect.gather [hbm4b:s3+s13], $0x40, s11, s13, $0xb8;
	[tilespmem:$0x19640] =	vst v63  }
0x87: {  	s30 =	simm.s32 $0xC8  }
0x88: {  	[tilespmem:s31], [sflag:$0x1] =	stream.indirect.gather [hbm4b:s3+s11], $0x40, s30, s11, $0xb8;
	[tilespmem:$0x19640] =	vst v63  }
0x89: {  	s30 =	simm.s32 $0x148  }
0x8a: {  	[tilespmem:s0], [sflag:$0x1] =	stream.indirect.gather [hbm4b:s3+s13], $0x40, s30, s13, $0xb8;
	[tilespmem:$0x19640] =	vst v63  }
0x8b: {  	_ = 	snop  }
0x8c: {  	[tilespmem:s6], [sflag:$0x1] =	stream.indirect.gather [hbm4b:s3+s11], $0x40, s5, s11, $0xb8;
	[tilespmem:$0x19640] =	vst v63  }
0x8d: {  	_ = 	snop  }
0x8e: {  	[tilespmem:s7], [sflag:$0x1] =	stream.indirect.gather [hbm4b:s3+s13], $0x40, s4, s13, $0xb8;
	[tilespmem:$0x19640] =	vst v63  }
0x8f: {  	_ = 	snop  }
0x90: {  	[tilespmem:s9], [sflag:$0x1] =	stream.indirect.gather [hbm4b:s3+s11], $0x40, s8, s11, $0xb8;
	[tilespmem:$0x19640] =	vst v63  }
0x91: {  	_ = 	snop  }
0x92: {  	[tilespmem:s15], [sflag:$0x1] =	stream.indirect.gather [hbm4b:s3+s13], $0x40, s14, s13, $0xb8;
	[tilespmem:$0x19640] =	vst v63  }
0x93: {  	_ =	swait.ge [sflag:s20], $0xC800  }
0x94: {  	[sflag:s20] =	ssyncset.done $0x0  }
0x95: {  	s30 =	sadd.s32 $0x1900, s23;
	[sflag:s20] =	ssyncadd.s32 $0xFFFF3800  }
0x96: {  	[hbm4b:s30+s2] =	stream.linear.scatter [tilespmem:s29], [sflag:$0x4], $0xC800, $0x38;
	[tilespmem:$0x19640] =	vst v63  }
0x97: {  	s24 =	sadd.s32 $0x12C, s24  }
0x98: {  	[tilespmem:s28], [sflag:$0x5] =	stream.linear.gather [hbm4b:s24+s2], $0x320, $0x38;
	[tilespmem:$0x19640] =	vst v63  }
0x99: {  	_ =	swait.ge [sflag:s10], $0x320  }
0x9a: {  	[sflag:s10] =	ssyncset.done $0x0  }
0x9b: {  	[sflag:s10] =	ssyncadd.s32 $0xFFFFFCE0  }
0x9c: {  	_ =	swait.ge [sflag:s21], $0xC800  }
0x9d: {  	[sflag:s21] =	ssyncset.done $0x0  }
0x9e: {  	[sflag:s21] =	ssyncadd.s32 $0xFFFF3800  }
0x9f: {  	[tilespmem:s29], [sflag:$0x2] =	stream.indirect.gather [hbm4b:s3+s11], $0x40, s28, s11, $0xb8;
	[tilespmem:$0x19640] =	vst v63  }
0xa0: {  	_ = 	snop  }
0xa1: {  	[tilespmem:s17], [sflag:$0x2] =	stream.indirect.gather [hbm4b:s3+s13], $0x40, s16, s13, $0xb8;
	[tilespmem:$0x19640] =	vst v63  }
0xa2: {  	s30 =	simm.s32 $0x10040  }
0xa3: {  	[tilespmem:s30], [sflag:$0x2] =	stream.indirect.gather [hbm4b:s3+s11], $0x40, s1, s11, $0xb8;
	[tilespmem:$0x19640] =	vst v63  }
0xa4: {  	s25 =	simm.s32 $0x12040;
	s30 =	simm.s32 $0x468  }
0xa5: {  	[tilespmem:s25], [sflag:$0x2] =	stream.indirect.gather [hbm4b:s3+s13], $0x40, s30, s13, $0xb8;
	[tilespmem:$0x19640] =	vst v63  }
0xa6: {  	p0 =	sne.s32 s22, $0xAF0;
	s25 =	simm.s32 $0x4B0;
	s30 =	simm.s32 $0x13240  }
0xa7: {  	[tilespmem:s30], [sflag:$0x2] =	stream.indirect.gather [hbm4b:s3+s11], $0x40, s25, s11, $0xb8;
	[tilespmem:$0x19640] =	vst v63  }
.Ltmp0:
0xa8: {  	_ = 	snop;
	(pc) =	sbr.rel @p0 .LBB2_2-.Ltmp0, $4  }
0xa9: {  	s25 =	simm.s32 $0x530;
	s30 =	simm.s32 $0x15240  }
0xaa: {  	[tilespmem:s30], [sflag:$0x2] =	stream.indirect.gather [hbm4b:s3+s13], $0x40, s25, s13, $0xb8;
	[tilespmem:$0x19640] =	vst v63  }
0xab: {  	s22 =	sadd.s32 $0xC8, s22;
	s25 =	simm.s32 $0x578;
	s30 =	simm.s32 $0x16440  }
0xac: {  	[tilespmem:s30], [sflag:$0x2] =	stream.indirect.gather [hbm4b:s3+s11], $0x40, s25, s11, $0xb8;
	[tilespmem:$0x19640] =	vst v63  }
0xad: {  	s0 =	simm.s32 $0x5F8;
	s1 =	simm.s32 $0x18440  }
0xae: {  	[tilespmem:s1], [sflag:$0x2] =	stream.indirect.gather [hbm4b:s3+s13], $0x40, s0, s13, $0xb8;
	[tilespmem:$0x19640] =	vst v63  }
0xaf: {  	_ =	swait.ge [sflag:s18], $0xC800  }
0xb0: {  	[sflag:s18] =	ssyncset.done $0x0  }
0xb1: {  	s22 =	rddreg [dreg:$0x6];
	[sflag:s18] =	ssyncadd.s32 $0xFFFF3800  }
0xb2: {  	[hbm4b:s22+s2] =	stream.linear.scatter [tilespmem:s12], [sflag:$0x3], $0xC800, $0x38;
	[tilespmem:$0x19640] =	vst v63  }
0xb3: {  	_ =	swait.ge [sflag:s19], $0xC800  }
0xb4: {  	[sflag:s19] =	ssyncset.done $0x0  }
0xb5: {  	[sflag:s19] =	ssyncadd.s32 $0xFFFF3800  }
0xb6: {  	_ =	swait.ge [sflag:s20], $0xC800  }
0xb7: {  	[sflag:s20] =	ssyncset.done $0x0  }
0xb8: {  	s24 =	rddreg [dreg:$0x7];
	[sflag:s20] =	ssyncadd.s32 $0xFFFF3800  }
0xb9: {  	[hbm4b:s24+s2] =	stream.linear.scatter [tilespmem:s29], [sflag:$0x4], $0xC800, $0x38;
	[tilespmem:$0x19640] =	vst v63  }
0xba: {  	s30 =	simm.s32 $0x3840;
	s5 =	simm.s32 $0x190;
	_ =	swait.ge [sflag:s21], $0xC800  }
0xbb: {  	s6 =	simm.s32 $0x6A40;
	s4 =	simm.s32 $0x210;
	s25 =	rddreg [dreg:$0xa]  }
0xbc: {  	s7 =	simm.s32 $0x8A40;
	s26 =	rddreg [dreg:$0x8];
	s0 =	sadd.s32 $0x1, s25  }
0xbd: {  	s8 =	simm.s32 $0x258;
	s9 =	simm.s32 $0x9C40;
	p0 =	sne.s32 s0, s26  }
.Ltmp1:
0xbe: {  	s14 =	simm.s32 $0x2D8;
	s15 =	simm.s32 $0xBC40;
	(pc) =	sbr.rel @p0 .LBB2_1-.Ltmp1, $4  }
0xbf: {  	s16 =	simm.s32 $0x3A0;
	s17 =	simm.s32 $0xEE40;
	s31 =	simm.s32 $0x3E8  }
0xc0: {  	s23 =	simm.s32 $0x10040;
	s1 =	simm.s32 $0x148;
	[sflag:s21] =	ssyncset.done $0x0  }
0xc1: {  	s24 =	simm.s32 $0x468;
	[sflag:s21] =	ssyncadd.s32 $0xFFFF3800;
	s25 =	simm.s32 $0x2640  }
0xc2: {  	[dreg:$0xa] =	wrdreg s0;
	s26 =	simm.s32 $0xC8;
	s0 =	simm.s32 $0x5840  }
0xc3: {  	_ =	sfence.sel $0x180000  }
0xc4: {  	[bflag:$0x0] =	sbarrier.arrive $0xFFFF  }
0xc5: {  	_ =	strace $0x90000047  }
0xc6: {  	s0 =	stileid.u32;
	[bflag:$0x2] =	sbarrier.arrive $0xFFFF  }
0xc7: {  	p0 =	sne.s32 s0, $0x0;
	s0 =	rddreg [dreg:$0x2]  }
0xc8: {  	s0 =	sadd.s32 @!p0 $0x100000, s0  }
0xc9: {  	[sflag:s0] =	ssyncadd.tile.s32 @!p0 $0x1;
	_ =	shalt  }
.Lfunc_end2:
_tile_overlayer_lowered:
.L_overlay_start_2:
0xca: {  	(tag) =	ssettag $0x2  }
0xcb: {  	s0 =	rddreg [dreg:$0x0];
	s2 =	stileid.u32  }
0xcc: {  	s1 =	rddreg [dreg:$0x1];
	p0 =	sne.s32 s2, $0x0  }
0xcd: {  	s3 =	rddreg [dreg:$0x2];
	[bflag:$0x3] =	sbarrier.arrive $0xFFFF;
	s2 =	simm.s32 @!p0 $0x1C05  }
0xce: {  	[timem:s3], [sflag:s2] =	dma.local @!p0 [hbm:s0], s1  }
0xcf: {  	s0 =	simm.s32 @!p0 $0x5  }
0xd0: {  	_ =	swait.ge @!p0 [sflag:s0], s1  }
0xd1: {  	s1 =	ssub.s32 @!p0 $0x0, s1;
	[sflag:s0] =	ssyncset.done @!p0 $0x0  }
0xd2: {  	[sflag:s0] =	ssyncadd.s32 @!p0 s1  }
0xd3: {  	[bflag:$0x3] =	sbarrier.arrive $0xFFFF  }
0xd4: {  	_ =	shalt  }

// kernel: sparse-core-data-format-call.cloned.1.call-start
scs
called_computation_lowered:
.L_overlay_start_0:
0x0: {  	s2 =	sld [smem:$0x3FD9]  }
0x1: {  	s3 =	sld [smem:$0x3FFE];
	_ =	sdelay $0x1  }
0x2: {  	s1 =	srdreg.scid  }
0x3: {  	s0 =	sand.u32 $0x1, s1  }
0x4: {  	s18 =	sshll.u32 s0, $0xA;
	s2 =	sadd.s32 s3, s2  }
0x5: {  	s2 =	sadd.s32 s2, s18  }
0x6: {  	[smem:$0x3FC6] =	sst s2  }
0x7: {  	_ = 	snop  }
0x8: {  	s2 =	sld [smem:$0x3FD0];
	(tm) =	ssettm $0x1  }
0x9: {  	s19 =	sld [smem:$0x3FFB];
	_ =	sdelay $0x3  }
0xa: {  	_ =	strace s19  }
0xb: {  	s3 =	sld [smem:$0x3FFC];
	_ =	sdelay $0x3  }
0xc: {  	_ =	strace s3  }
0xd: {  	s3 =	sld [smem:$0x3FFD];
	_ =	sdelay $0x3  }
0xe: {  	_ =	strace s3  }
0xf: {  	_ =	strace $0x8FFFFFFF  }
0x10: {  	s20 =	sld [smem:$0x3FDB];
	_ =	sdelay $0x1  }
0x11: {  	s4 =	simm.s32 $_scs_section_size  }
0x12: {  	s5 =	simm.s32 $_size__tile_overlayer_lowered;
	s6 =	simm.s32 $_tile_overlayer_lowered  }
0x13: {  	s23 =	simm.s32 $0x1BFF;
	s22 =	sshll.u32 s6, $0x1;
	s3 =	sadd.s32 s4, s20  }
0x14: {  	s7 =	simm.s32 $0x0;
	s21 =	sshll.u32 s5, $0x1;
	s5 =	sadd.s32 s22, s3  }
0x15: {  	[timem:s7], [sflag:s23] =	dma.local [hbm:s5], s21  }
0x16: {  	_ =	swait.ge [sflag:s23], s21  }
0x17: {  	s4 =	ssub.s32 $0x0, s21;
	[sflag:s23] =	ssyncset.done $0x0  }
0x18: {  	[sflag:s23] =	ssyncadd.s32 s4;
	_ =	sdelay $0x1  }
0x19: {  	s24 =	simm.s32 $0x1B8B  }
0x1a: {  	_ =	swait.ge [sflag:s24], $0x1  }
0x1b: {  	[sflag:s24] =	ssyncset.done $0x0  }
0x1c: {  	s26 =	simm.s32 $0x1B8E;
	s25 =	sld [smem:$0x3FFE];
	[sflag:s24] =	ssyncadd.s32 $0xFFFFFFFF  }
0x1d: {  	s27 =	simm.s32 $execute0_lowered;
	[smem:$0x3FD2] =	sst s26  }
0x1e: {  	s5 =	sshll.u32 s27, $0x1;
	_ =	strace $0x80000049;
	[dreg:$0x1] =	wrdreg $0xFFFFFFFF  }
0x1f: {  	s28 =	simm.s32 $_size_execute0_lowered;
	s3 =	sadd.s32 s3, s5;
	[dreg:$0x0] =	wrdreg $0x0  }
0x20: {  	s5 =	sshll.u32 s28, $0x1;
	[dreg:$0x2] =	wrdreg s3  }
0x21: {  	[dreg:$0x3] =	wrdreg s5  }
0x22: {  	[dreg:$0x4] =	wrdreg $0xC0  }
0x23: {  	_ =	task [dreg:s7], $0x5FFFF  }
0x24: {  	[dreg:$0x1] =	wrdreg $0xFFFFFFFF  }
0x25: {  	[dreg:$0x0] =	wrdreg $0x60  }
0x26: {  	[dreg:$0x2] =	wrdreg s25  }
0x27: {  	[dreg:$0x3] =	wrdreg s2  }
0x28: {  	[dreg:$0x4] =	wrdreg $0x9  }
0x29: {  	_ =	task.clear_ibuf [dreg:s7], $0x5FFFF;
	_ =	strace $0x90000049  }
0x2a: {  	s29 =	simm.s32 $0x9;
	_ =	strace $0x8000004B  }
0x2b: {  	_ =	swait.ge [sflag:s29], $0x1  }
0x2c: {  	[sflag:s29] =	ssyncadd.s32 $0xFFFFFFFF  }
0x2d: {  	_ =	strace $0x9000004B  }
0x2e: {  	_ =	sfence  }
0x2f: {  	s30 =	sld [smem:$0x0];
	_ =	sdelay $0x2  }
0x30: {  	s31 =	sshll.u32 s1, $0xD;
	s1 =	sshrl.u32 s1, $0x2  }
0x31: {  	s3 =	sand.u32 $0x4000, s31;
	s1 =	sadd.s32 s1, s30  }
0x32: {  	s0 =	sor.u32 s3, s0;
	s1 =	sshll.u32 s1, $0x11  }
0x33: {  	s0 =	sor.u32 s1, s0  }
0x34: {  	s0 =	sadd.s32 $0x8F2B, s0  }
0x35: {  	[sflag:s0] =	ssyncadd.remote.s32 $0x1  }
0x36: {  	_ =	sfence.sel $0xFFFF  }
0x37: {  	[dreg:$0x0] =	wrdreg $0xFFFFFFFF;
	(pc) =	sbr.abs _section_cstart, $3  }
0x38: {  	[dreg:$0x1] =	wrdreg $0xFFFFFFFF  }
0x39: {  	_ =	task.clear_ibuf [dreg:s7], $0x2FFFF;
	_ =	strace $0x9FFFFFFF  }
0x3a: {  	(tm) =	ssettm $0x7FFFFFFF  }
0x3b: {  	_ =	shalt  }
tec
execute0_lowered:
.L_overlay_start_1:
0x0: {  	(tag) =	ssettag $0x1  }
0x1: {  	s0 =	srdreg.scid  }
0x2: {  	s1 =	sshll.u32 s0, $0x4  }
0x3: {  	s0 =	stileid.u32;
	s1 =	sand.u32 $0x10, s1  }
0x4: {  	s1 =	sor.u32 s0, s1  }
0x5: {  	s6 =	rddreg [dreg:$0x0];
	s4 =	simm.s32 $0x1;
	s2 =	sshll.u32 s1, $0x7  }
0x6: {  	s7 =	simm.s32 $0x2;
	s12 =	simm.s32 $0x0;
	s1 =	ssub.s32 $0x1000, s2  }
0x7: {  	s8 =	simm.s32 $0x8000;
	s13 =	simm.s32 $0x0;
	s3 =	sand.u32 $0xF80, s1  }
0x8: {  	s9 =	simm.s32 $0x0;
	s5 =	sshrl.u32 s1, $0xC;
	p0 =	sne.s32 s3, $0x0  }
.Ltmp0:
0x9: {  	s1 =	rddreg [dreg:$0x2];
	s4 =	simm.s32 @!p0 $0x0;
	(pc) =	sbr.rel .LBB1_1-.Ltmp0, $4  }
0xa: {  	s11 =	simm.s32 $0x0;
	s3 =	rddreg [dreg:$0x1];
	s5 =	sadd.s32 s4, s5  }
0xb: {  	_ =	strace $0x8000004A;
	s4 =	simm.s32 $0x1;
	s5 =	smul.u32 $0xC8, s5  }
0xc: {  	s6 =	sadd.s32 $0xA00, s6;
	s10 =	smov.u32 s2;
	[sflag:s4] =	ssyncpa.u1 $0x0  }
0xd: {  	p0 =	por $0x0, $0x0;
	[sflag:s7] =	ssyncpa.u1 $0x0;
	s7 =	sor.u32 $0x1, s5  }
.LBB1_4:
0xe: {  	s16 =	sshll.u32 s13, $0x3;
	s17 =	sand.u32 $0x78, s13  }
0xf: {  	s30 =	sand.u32 $0x7E00, s13;
	s12 =	sshll.u32 s12, $0xF;
	s16 =	sand.u32 $0xC00, s16  }
0x10: {  	[tilespmem:s15+$0x810 ss:$0x81] =	vst.msk $0xffff, v2;
	s31 =	sand.u32 $0x7, s13;
	s16 =	sor.u32 s17, s16;
	s17 =	sadd.s32 s3, s30  }
0x11: {  	[tilespmem:s15+$0x1020 ss:$0x81] =	vst.msk $0xffff, v0;
	s13 =	sshll.u32 s31, $0x12;
	s12 =	sadd.s32 s12, s17;
	s16 =	sshrl.u32 s16, $0x3  }
0x12: {  	[tilespmem:s15+$0x0 ss:$0x81] =	vst.msk $0xffff, v1;
	s13 =	sor.u32 $0x400, s13;
	s12 =	sadd.s32 s16, s12  }
0x13: {  	[hbm4b:s12+s13] =	stream.strided.scatter [tilespmem:s14], [sflag:$0x2], $0x2000, s8, s13, $0x20;
	[tilespmem:$0x8080] =	vst v63  }
.LBB1_5:
0x14: {  	s14 =	sadd.s32 $0x1, s9  }
0x15: {  	s12 =	sadd.s32 $0x1000, s10;
	s16 =	smov.u32 s10;
	p2 =	sgt.s32 s14, $0xC7  }
0x16: {  	s16 =	smov.u32 @p2 s12  }
0x17: {  	s14 =	simm.s32 @p2 $0x0;
	p2 =	sgt.s32 s16, $0xFFF  }
0x18: {  	s16 =	smov.u32 @p2 s2;
	p2 =	sne.s32 s11, s7  }
.Ltmp1:
0x19: {  	p1 =	slt.u32 s11, $0x2;
	(pc) =	sbr.rel @!p2 .LBB1_6-.Ltmp1, $4  }
0x1a: {  	s15 =	simm.s32 @!p1 $0x2  }
0x1b: {  	s13 =	smov.u32 s10;
	p0 =	por !p0, !p0;
	_ =	swait.ge @!p1 [sflag:s15], $0x2000  }
0x1c: {  	s12 =	smov.u32 s9;
	[sflag:s15] =	ssyncset.done @!p1 $0x0;
	s9 =	smov.u32 s14  }
0x1d: {  	s11 =	sadd.s32 $0x1, s11;
	[sflag:s15] =	ssyncadd.s32 @!p1 $0xFFFFE000;
	s10 =	smov.u32 s16  }
.LBB1_1:
0x1e: {  	p1 =	sge.u32 s11, s5  }
0x1f: {  	s14 =	sand.u32 @!p1 $0x1FFFFFF, s9  }
0x20: {  	s15 =	smulhi.u32 @!p1 $0x147AE15, s14;
	_ =	sdelay $0x1  }
0x21: {  	s15 =	smul.u32 @!p1 $0xC8, s15  }
0x22: {  	s16 =	sxor.u32 @!p1 $0xFFFFFFFF, s11;
	s17 =	smul.u32 @!p1 $0xC80, s10  }
0x23: {  	s31 =	sadd.s32 $0xFFFFFFFF, s11;
	s16 =	sshll.u32 @!p1 s16, $0xD;
	s14 =	ssub.s32 @!p1 s14, s15  }
0x24: {  	s15 =	sand.u32 @!p1 $0x2000, s16;
	s16 =	sadd.s32 @!p1 s6, s17;
	s14 =	sshll.u32 @!p1 s14, $0x4  }
0x25: {  	s17 =	simm.s32 @!p1 $0x6400;
	s14 =	sadd.s32 @!p1 s14, s16;
	s16 =	simm.s32 @!p1 $0x40  }
0x26: {  	[tilespmem:s15], [sflag:$0x1] =	stream.strided.gather @!p1 [hbm4b:s14+s16], $0x2000, s17, s16, $0x38;
	[tilespmem:$0x8080] =	vst v63  }
0x27: {  	p1 =	sge.u32 s31, s5  }
.Ltmp2:
0x28: {  	_ = 	snop;
	(pc) =	sbr.rel @p1 .LBB1_5-.Ltmp2, $1  }
0x29: {  	_ =	sdelay $0x3  }
0x2a: {  	s14 =	simm.s32 $0x1  }
0x2b: {  	_ =	swait.ge [sflag:s4], $0x2000;
	s14 =	simm.s32 @!p0 $0x0  }
0x2c: {  	[sflag:s4] =	ssyncset.done $0x0;
	s15 =	sshll.u32 s14, $0xD  }
0x2d: {  	[sflag:s4] =	ssyncadd.s32 $0xFFFFE000;
	s18 =	sor.u32 $0x20, s15  }
0x2e: {  	s14 =	smul.u32 $0x8100, s14;
	v3 =	vld [tilespmem:s18+$0x10]  }
0x2f: {  	s30 =	sand.u32 $0x1, s11;
	v2 =	vld [tilespmem:s18+$0xFFFFFFF0]  }
0x30: {  	s15 =	smul.u32 $0x8100, s30;
	s14 =	sshrl.u32 s14, $0x2;
	v0 =	vld [tilespmem:s18+$0x0]  }
0x31: {  	v1 =	vld [tilespmem:s18+$0xFFFFFFE0];
	s16 =	sor.u32 $0x4000, s14  }
0x32: {  	s31 =	sshrl.u32 s15, $0x2;
	s15 =	sadd.s32 $0x0, s16  }
0x33: {  	s17 =	simm.s32 $0x4;
	s18 =	sadd.s32 $0x40, s18;
	s14 =	sor.u32 $0x4000, s31;
	[tilespmem:s15+$0x1830 ss:$0x81] =	vst.msk $0xffff, v3  }
.LBB1_3:
0x34: {  	v3 =	vld [tilespmem:s18+$0x10];
	p1 =	sne.s32 s17, $0x1FC;
	[tilespmem:s15+$0x810 ss:$0x81] =	vst.msk $0xffff, v2;
	s19 =	smov.u32 s17;
	s17 =	sadd.s32 $0x4, s17  }
.Ltmp3:
0x35: {  	v2 =	vld [tilespmem:s18+$0xFFFFFFF0];
	[tilespmem:s15+$0x1020 ss:$0x81] =	vst.msk $0xffff, v0;
	(pc) =	sbr.rel @p1 .LBB1_3-.Ltmp3, $4  }
0x36: {  	v0 =	vld [tilespmem:s18+$0x0];
	[tilespmem:s15+$0x0 ss:$0x81] =	vst.msk $0xffff, v1  }
0x37: {  	s15 =	sshra.s32 s19, $0x2;
	v1 =	vld [tilespmem:s18+$0xFFFFFFE0]  }
0x38: {  	s15 =	sadd.s32 s15, s16  }
0x39: {  	s18 =	sadd.s32 $0x40, s18;
	[tilespmem:s15+$0x1830 ss:$0x81] =	vst.msk $0xffff, v3  }
.Ltmp4:
0x3a: {  	_ = 	snop;
	(pc) =	sbr.rel .LBB1_4-.Ltmp4, $1  }
0x3b: {  	_ =	sdelay $0x3  }
.LBB1_6:
0x3c: {  	_ =	sfence.sel $0x180000  }
0x3d: {  	s2 =	simm.s32 $0x1;
	[bflag:$0x0] =	sbarrier.arrive $0xFFFF  }
0x3e: {  	s31 =	simm.s32 $0x2;
	[sflag:s2] =	ssyncpa.u1 $0x1  }
0x3f: {  	[sflag:s31] =	ssyncpa.u1 $0x1  }
0x40: {  	p0 =	sne.s32 s0, $0x0;
	_ =	strace $0x9000004A  }
0x41: {  	s0 =	sadd.s32 @!p0 $0x100000, s1;
	[bflag:$0x2] =	sbarrier.arrive $0xFFFF  }
0x42: {  	[sflag:s0] =	ssyncadd.tile.s32 @!p0 $0x1;
	_ =	shalt  }
.Lfunc_end1:
_tile_overlayer_lowered:
.L_overlay_start_2:
0x43: {  	(tag) =	ssettag $0x2  }
0x44: {  	s0 =	rddreg [dreg:$0x0];
	s2 =	stileid.u32  }
0x45: {  	s1 =	rddreg [dreg:$0x1];
	p0 =	sne.s32 s2, $0x0  }
0x46: {  	s3 =	rddreg [dreg:$0x2];
	[bflag:$0x3] =	sbarrier.arrive $0xFFFF;
	s2 =	simm.s32 @!p0 $0x1C01  }
0x47: {  	[timem:s3], [sflag:s2] =	dma.local @!p0 [hbm:s0], s1  }
0x48: {  	s0 =	simm.s32 @!p0 $0x1  }
0x49: {  	_ =	swait.ge @!p0 [sflag:s0], s1  }
0x4a: {  	s1 =	ssub.s32 @!p0 $0x0, s1;
	[sflag:s0] =	ssyncset.done @!p0 $0x0  }
0x4b: {  	[sflag:s0] =	ssyncadd.s32 @!p0 s1  }
0x4c: {  	[bflag:$0x3] =	sbarrier.arrive $0xFFFF  }
0x4d: {  	_ =	shalt  }

</sc_bundles>
